<compile_context>
chip_gen: v7x
topology: tpu7x:2x2x1
jax: 0.10.2.dev20260603
libtpu: 0.0.44.dev20260713+nightly
codegen_flags: <defaults>
</compile_context>

<pallas_src>
import functools

import jax
import jax.numpy as jnp
from jax import lax
from jax.experimental import pallas as pl
from jax.experimental.pallas import tpu as pltpu
from jax.experimental.pallas import tpu_sc as plsc

_N = 100000
_D = 64
_B = 16384
_NW = 32
_BPW = _B // _NW
_CB = 128
_NCH = _BPW // _CB

_C = 12800


def _tconcat_body(a_ref, b_ref, o_ref):
    o_ref[:, 0:_D] = a_ref[...].T
    o_ref[:, _D:2 * _D] = b_ref[...].T


def _transpose_concat(a_t, b_t):
    return pl.pallas_call(
        _tconcat_body,
        grid=(pl.cdiv(_N, _C),),
        in_specs=[pl.BlockSpec((_D, _C), lambda i: (0, i))] * 2,
        out_specs=pl.BlockSpec((_C, 2 * _D), lambda i: (i, 0)),
        out_shape=jax.ShapeDtypeStruct((_N, 2 * _D), jnp.float32),
    )(a_t, b_t)


_CC = 4096


def _cargo_body(g_ref, cdt_ref, o_ref):
    o_ref[0:128, :] = g_ref[...].T
    o_ref[128:192, :] = cdt_ref[...]


def _cargo_assemble(cargo_g, cargo_data_t):
    return pl.pallas_call(
        _cargo_body,
        grid=(_B // _CC,),
        in_specs=[pl.BlockSpec((_CC, 128), lambda i: (i, 0)),
                  pl.BlockSpec((_D, _CC), lambda i: (0, i))],
        out_specs=pl.BlockSpec((192, _CC), lambda i: (0, i)),
        out_shape=jax.ShapeDtypeStruct((192, _B), jnp.float32),
    )(cargo_g, cargo_data_t)


_sc_mesh = plsc.VectorSubcoreMesh(core_axis_name="c", subcore_axis_name="s")


def _wid():
    return lax.axis_index("s") * 2 + lax.axis_index("c")


def _sc_tgather_body(type_data_h, orders_types_h, cargo_types_h,
                     orders_data_h, orders_ref_h, cargo_g_out,
                     idx_a, idx_b, g_a, g_b, od, sem, sem2):
    base = _wid() * _BPW
    wrows = pl.ds(base, _BPW)
    od_in = pltpu.make_async_copy(orders_data_h.at[wrows], od, sem2)
    od_in.start()

    def chunk(c, carry):
        rows = pl.ds(base + c * _CB, _CB)
        w1 = [
            pltpu.make_async_copy(orders_types_h.at[rows], idx_a, sem),
            pltpu.make_async_copy(cargo_types_h.at[rows], idx_b, sem),
        ]
        for cp in w1:
            cp.start()
        for cp in w1:
            cp.wait()
        w2 = [
            pltpu.make_async_copy(type_data_h.at[idx_a], g_a, sem),
            pltpu.make_async_copy(type_data_h.at[idx_b], g_b, sem),
        ]
        for cp in w2:
            cp.start()
        for cp in w2:
            cp.wait()
        w3 = [
            pltpu.make_async_copy(g_a, orders_ref_h.at[rows, pl.ds(0, 128)], sem),
            pltpu.make_async_copy(g_b, cargo_g_out.at[rows], sem),
        ]
        for cp in w3:
            cp.start()
        for cp in w3:
            cp.wait()
        return carry

    lax.fori_loop(0, _NCH, chunk, 0)
    od_in.wait()
    od_out = pltpu.make_async_copy(
        od, orders_ref_h.at[wrows, pl.ds(256, 128)], sem2)
    od_out.start()
    od_out.wait()


_sc_tgather = functools.partial(
    pl.kernel,
    mesh=_sc_mesh,
    out_type=jax.ShapeDtypeStruct((_B, 128), jnp.float32),
    scratch_types=[
        pltpu.VMEM((_CB,), jnp.int32),
        pltpu.VMEM((_CB,), jnp.int32),
        pltpu.VMEM((_CB, 128), jnp.float32),
        pltpu.VMEM((_CB, 128), jnp.float32),
        pltpu.VMEM((_BPW, 128), jnp.float32),
        pltpu.SemaphoreType.DMA,
        pltpu.SemaphoreType.DMA,
    ],
)(_sc_tgather_body)


def _sc_sgather_body(sys_data_h, orders_systems_h, orders_ref_h,
                     idx0, idx1, g0, g1, si0, si1, sg, sw0, sw1):
    base = _wid() * _BPW
    idx = (idx0, idx1)
    g = (g0, g1)
    si = (si0, si1)
    sw = (sw0, sw1)

    def rows(c):
        return pl.ds(base + c * _CB, _CB)

    pltpu.make_async_copy(orders_systems_h.at[rows(0)], idx[0], si[0]).start()
    for c in range(_NCH):
        b = c & 1
        pltpu.make_async_copy(orders_systems_h.at[rows(c)], idx[b], si[b]).wait()
        if c >= 2:
            pltpu.make_async_copy(
                g[b], orders_ref_h.at[rows(c - 2), pl.ds(128, 128)], sw[b]).wait()
        gcp = pltpu.make_async_copy(sys_data_h.at[idx[b]], g[b], sg)
        gcp.start()
        if c + 1 < _NCH:
            pltpu.make_async_copy(
                orders_systems_h.at[rows(c + 1)], idx[1 - b], si[1 - b]).start()
        gcp.wait()
        pltpu.make_async_copy(
            g[b], orders_ref_h.at[rows(c), pl.ds(128, 128)], sw[b]).start()
    for c in (_NCH - 2, _NCH - 1):
        b = c & 1
        pltpu.make_async_copy(
            g[b], orders_ref_h.at[rows(c), pl.ds(128, 128)], sw[b]).wait()


_sc_sgather = functools.partial(
    pl.kernel,
    mesh=_sc_mesh,
    out_type=(),
    scratch_types=[
        pltpu.VMEM((_CB,), jnp.int32),
        pltpu.VMEM((_CB,), jnp.int32),
        pltpu.VMEM((_CB, 128), jnp.float32),
        pltpu.VMEM((_CB, 128), jnp.float32),
        pltpu.SemaphoreType.DMA,
        pltpu.SemaphoreType.DMA,
        pltpu.SemaphoreType.DMA,
        pltpu.SemaphoreType.DMA,
        pltpu.SemaphoreType.DMA,
    ],
)(_sc_sgather_body)


def kernel(systems, system_notes, types, type_notes, orders_types,
           orders_systems, orders_data, cargo_types, cargo_data):
    orders_ref = jax.new_ref(lax.empty((_B, 384), jnp.float32))
    all_type_data = _transpose_concat(types.T, type_notes.T)
    cargo_gathered = _sc_tgather(all_type_data, orders_types, cargo_types,
                                 orders_data, orders_ref)
    all_system_data = _transpose_concat(systems.T, system_notes.T)
    _sc_sgather(all_system_data, orders_systems, orders_ref)
    cargo_t = _cargo_assemble(cargo_gathered, cargo_data.T)
    return (all_system_data, all_type_data, orders_ref[...], cargo_t.T)

# --- scband reference (transcript-rebuilt; emitter-appended) ---
"""Pipeline reference for scband-embedding-75565654605910 (READ-ONLY COPY).

The authoritative reference and input builder live on the scoring server;
editing this copy changes nothing except your own understanding.
"""

import jax, jax.numpy as jnp
import numpy as np

N_SYS, N_TYPE, D_SYS, D_TYPE, B = 100000, 100000, 64, 64, 16384

def setup_inputs(seed: int = 0) -> dict:
    key = jax.random.key(seed)
    ks = jax.random.split(key, 9)
    return {
        "systems": jax.random.normal(ks[0], (N_SYS, D_SYS), dtype=jnp.float32),
        "system_notes": jax.random.normal(ks[1], (N_SYS, D_SYS), dtype=jnp.float32) * 0.01,
        "types": jax.random.normal(ks[2], (N_TYPE, D_TYPE), dtype=jnp.float32),
        "type_notes": jax.random.normal(ks[3], (N_TYPE, D_TYPE), dtype=jnp.float32) * 0.01,
        "orders_types": jax.random.randint(ks[4], (B,), 0, N_TYPE, dtype=jnp.int32),
        "orders_systems": jax.random.randint(ks[5], (B,), 0, N_SYS, dtype=jnp.int32),
        "orders_data": jax.random.normal(ks[6], (B, 128), dtype=jnp.float32),
        "cargo_types": jax.random.randint(ks[7], (B,), 0, N_TYPE, dtype=jnp.int32),
        "cargo_data": jax.random.normal(ks[8], (B, 64), dtype=jnp.float32),
    }

def reference(systems, system_notes, types, type_notes, orders_types, orders_systems, orders_data, cargo_types, cargo_data):
    # call(): concat base tables with learned 'notes', then gather per-order / per-cargo rows
    all_system_data = jnp.concatenate([systems, system_notes], axis=-1)   # [N_SYS, 2*D_SYS]
    all_type_data = jnp.concatenate([types, type_notes], axis=-1)         # [N_TYPE, 2*D_TYPE]
    all_orders_data = jnp.concatenate([
        jnp.take(all_type_data, orders_types, axis=0),
        jnp.take(all_system_data, orders_systems, axis=0),
        orders_data,
    ], axis=-1)  # [B, 2*D_TYPE + 2*D_SYS + 128] = [B, 384]
    all_cargo_data = jnp.concatenate([
        jnp.take(all_type_data, cargo_types, axis=0),
        cargo_data,
    ], axis=-1)  # [B, 2*D_TYPE + 64] = [B, 192]
    # output dict {'systems','types','orders','cargo'} returned as a tuple
    return (all_system_data, all_type_data, all_orders_data, all_cargo_data)

if __name__ == "__main__":
    import jax
    _d = setup_inputs()
    print(jax.jit(kernel)(*tuple(_d.values())))

</pallas_src>

<mosaic_0001>
#map = affine_map<(d0, d1) -> (0, 0)>
#map1 = affine_map<(d0, d1) -> (0)>
module attributes {stable_mosaic.version = 14 : i64} {
  func.func @new_body(%arg0: i32, %arg1: i32, %arg2: memref<100000x128xf32, #tpu.memory_space<hbm>>, %arg3: memref<16384xi32, #tpu.memory_space<hbm>>, %arg4: memref<16384x384xf32, #tpu.memory_space<hbm>>, %arg5: memref<16384x384xf32, #tpu.memory_space<hbm>>, %arg6: memref<128xi32, #tpu.memory_space<vmem>>, %arg7: memref<128xi32, #tpu.memory_space<vmem>>, %arg8: memref<128x128xf32, #tpu.memory_space<vmem>>, %arg9: memref<128x128xf32, #tpu.memory_space<vmem>>, %arg10: memref<!tpu.dma_semaphore, #tpu.memory_space<semaphore_mem>>, %arg11: memref<!tpu.dma_semaphore, #tpu.memory_space<semaphore_mem>>, %arg12: memref<!tpu.dma_semaphore, #tpu.memory_space<semaphore_mem>>, %arg13: memref<!tpu.dma_semaphore, #tpu.memory_space<semaphore_mem>>, %arg14: memref<!tpu.dma_semaphore, #tpu.memory_space<semaphore_mem>>) attributes {dimension_semantics = [#tpu.dimension_semantics<core_parallel>, #tpu.dimension_semantics<subcore_parallel>], iteration_bounds = array<i64: 2, 16>, scalar_prefetch = 0 : i64, scratch_operands = 9 : i64, tpu.core_type = #tpu.core_type<sc_vector_subcore>, window_params = [{transform_indices = #map}, {transform_indices = #map1}, {transform_indices = #map}, {transform_indices = #map}]} {
    %mul3A = arith.constant 2 : i32
    %mul3A_0 = arith.muli %arg1, %mul3A : i32
    %add3A = arith.addi %mul3A_0, %arg0 : i32
    %mul3A_1 = arith.constant 512 : i32
    %mul3A_2 = arith.muli %add3A, %mul3A_1 : i32
    %add3A_3 = arith.constant 0 : i32
    %add3A_4 = arith.addi %mul3A_2, %add3A_3 : i32
    %dma_start3A = tpu.memref_slice %arg3[%add3A_4] : memref<16384xi32, #tpu.memory_space<hbm>> -> memref<128xi32, #tpu.memory_space<hbm>>
    %dma_start3A_5 = tpu.memref_slice %arg3[%add3A_4] : memref<16384xi32, #tpu.memory_space<hbm>> -> memref<128xi32, #tpu.memory_space<hbm>>
    tpu.enqueue_dma source(%dma_start3A_5 : memref<128xi32, #tpu.memory_space<hbm>>) target(%arg6 : memref<128xi32, #tpu.memory_space<vmem>>) target_semaphore(%arg10 : memref<!tpu.dma_semaphore, #tpu.memory_space<semaphore_mem>>)
    %add3A_6 = arith.constant 0 : i32
    %add3A_7 = arith.addi %mul3A_2, %add3A_6 : i32
    %dma_wait3A = tpu.memref_slice %arg3[%add3A_7] : memref<16384xi32, #tpu.memory_space<hbm>> -> memref<128xi32, #tpu.memory_space<hbm>>
    %dma_wait3A_8 = tpu.memref_slice %arg3[%add3A_7] : memref<16384xi32, #tpu.memory_space<hbm>> -> memref<128xi32, #tpu.memory_space<hbm>>
    tpu.wait_dma2 semaphore(%arg10 : memref<!tpu.dma_semaphore, #tpu.memory_space<semaphore_mem>>) src(%dma_wait3A_8 : memref<128xi32, #tpu.memory_space<hbm>>) dst(%arg6 : memref<128xi32, #tpu.memory_space<vmem>>)
    %dma_start3A_9 = arith.constant 0 : i32
    %dma_start3A_10 = arith.constant 0 : i32
    %dma_start3A_11 = tpu.memref_slice %arg2[%dma_start3A_9, %dma_start3A_10] : memref<100000x128xf32, #tpu.memory_space<hbm>> -> memref<100000x128xf32, #tpu.memory_space<hbm>>
    tpu.enqueue_indirect_dma source(%dma_start3A_11 : memref<100000x128xf32, #tpu.memory_space<hbm>>) target(%arg8 : memref<128x128xf32, #tpu.memory_space<vmem>>) offsets(%arg6 : memref<128xi32, #tpu.memory_space<vmem>>) semaphore(%arg12 : memref<!tpu.dma_semaphore, #tpu.memory_space<semaphore_mem>>)
    %add3A_12 = arith.constant 128 : i32
    %add3A_13 = arith.addi %mul3A_2, %add3A_12 : i32
    %dma_start3A_14 = tpu.memref_slice %arg3[%add3A_13] : memref<16384xi32, #tpu.memory_space<hbm>> -> memref<128xi32, #tpu.memory_space<hbm>>
    %dma_start3A_15 = tpu.memref_slice %arg3[%add3A_13] : memref<16384xi32, #tpu.memory_space<hbm>> -> memref<128xi32, #tpu.memory_space<hbm>>
    tpu.enqueue_dma source(%dma_start3A_15 : memref<128xi32, #tpu.memory_space<hbm>>) target(%arg7 : memref<128xi32, #tpu.memory_space<vmem>>) target_semaphore(%arg11 : memref<!tpu.dma_semaphore, #tpu.memory_space<semaphore_mem>>)
    %dma_wait3A_16 = arith.constant 0 : i32
    %dma_wait3A_17 = arith.constant 0 : i32
    %dma_wait3A_18 = tpu.memref_slice %arg2[%dma_wait3A_16, %dma_wait3A_17] : memref<100000x128xf32, #tpu.memory_space<hbm>> -> memref<100000x128xf32, #tpu.memory_space<hbm>>
    tpu.wait_indirect_dma semaphore(%arg12 : memref<!tpu.dma_semaphore, #tpu.memory_space<semaphore_mem>>) src(%dma_wait3A_18 : memref<100000x128xf32, #tpu.memory_space<hbm>>) dst(%arg8 : memref<128x128xf32, #tpu.memory_space<vmem>>)
    %add3A_19 = arith.constant 0 : i32
    %add3A_20 = arith.addi %mul3A_2, %add3A_19 : i32
    %dma_start3A_21 = arith.constant 128 : i32
    %dma_start3A_22 = tpu.memref_slice %arg4[%add3A_20, %dma_start3A_21] : memref<16384x384xf32, #tpu.memory_space<hbm>> -> memref<128x128xf32, #tpu.memory_space<hbm>>
    %dma_start3A_23 = arith.constant 128 : i32
    %dma_start3A_24 = tpu.memref_slice %arg4[%add3A_20, %dma_start3A_23] : memref<16384x384xf32, #tpu.memory_space<hbm>> -> memref<128x128xf32, #tpu.memory_space<hbm>>
    tpu.enqueue_dma source(%arg8 : memref<128x128xf32, #tpu.memory_space<vmem>>) target(%dma_start3A_24 : memref<128x128xf32, #tpu.memory_space<hbm>>) target_semaphore(%arg13 : memref<!tpu.dma_semaphore, #tpu.memory_space<semaphore_mem>>)
    %add3A_25 = arith.constant 128 : i32
    %add3A_26 = arith.addi %mul3A_2, %add3A_25 : i32
    %dma_wait3A_27 = tpu.memref_slice %arg3[%add3A_26] : memref<16384xi32, #tpu.memory_space<hbm>> -> memref<128xi32, #tpu.memory_space<hbm>>
    %dma_wait3A_28 = tpu.memref_slice %arg3[%add3A_26] : memref<16384xi32, #tpu.memory_space<hbm>> -> memref<128xi32, #tpu.memory_space<hbm>>
    tpu.wait_dma2 semaphore(%arg11 : memref<!tpu.dma_semaphore, #tpu.memory_space<semaphore_mem>>) src(%dma_wait3A_28 : memref<128xi32, #tpu.memory_space<hbm>>) dst(%arg7 : memref<128xi32, #tpu.memory_space<vmem>>)
    %dma_start3A_29 = arith.constant 0 : i32
    %dma_start3A_30 = arith.constant 0 : i32
    %dma_start3A_31 = tpu.memref_slice %arg2[%dma_start3A_29, %dma_start3A_30] : memref<100000x128xf32, #tpu.memory_space<hbm>> -> memref<100000x128xf32, #tpu.memory_space<hbm>>
    tpu.enqueue_indirect_dma source(%dma_start3A_31 : memref<100000x128xf32, #tpu.memory_space<hbm>>) target(%arg9 : memref<128x128xf32, #tpu.memory_space<vmem>>) offsets(%arg7 : memref<128xi32, #tpu.memory_space<vmem>>) semaphore(%arg12 : memref<!tpu.dma_semaphore, #tpu.memory_space<semaphore_mem>>)
    %add3A_32 = arith.constant 256 : i32
    %add3A_33 = arith.addi %mul3A_2, %add3A_32 : i32
    %dma_start3A_34 = tpu.memref_slice %arg3[%add3A_33] : memref<16384xi32, #tpu.memory_space<hbm>> -> memref<128xi32, #tpu.memory_space<hbm>>
    %dma_start3A_35 = tpu.memref_slice %arg3[%add3A_33] : memref<16384xi32, #tpu.memory_space<hbm>> -> memref<128xi32, #tpu.memory_space<hbm>>
    tpu.enqueue_dma source(%dma_start3A_35 : memref<128xi32, #tpu.memory_space<hbm>>) target(%arg6 : memref<128xi32, #tpu.memory_space<vmem>>) target_semaphore(%arg10 : memref<!tpu.dma_semaphore, #tpu.memory_space<semaphore_mem>>)
    %dma_wait3A_36 = arith.constant 0 : i32
    %dma_wait3A_37 = arith.constant 0 : i32
    %dma_wait3A_38 = tpu.memref_slice %arg2[%dma_wait3A_36, %dma_wait3A_37] : memref<100000x128xf32, #tpu.memory_space<hbm>> -> memref<100000x128xf32, #tpu.memory_space<hbm>>
    tpu.wait_indirect_dma semaphore(%arg12 : memref<!tpu.dma_semaphore, #tpu.memory_space<semaphore_mem>>) src(%dma_wait3A_38 : memref<100000x128xf32, #tpu.memory_space<hbm>>) dst(%arg9 : memref<128x128xf32, #tpu.memory_space<vmem>>)
    %add3A_39 = arith.constant 128 : i32
    %add3A_40 = arith.addi %mul3A_2, %add3A_39 : i32
    %dma_start3A_41 = arith.constant 128 : i32
    %dma_start3A_42 = tpu.memref_slice %arg4[%add3A_40, %dma_start3A_41] : memref<16384x384xf32, #tpu.memory_space<hbm>> -> memref<128x128xf32, #tpu.memory_space<hbm>>
    %dma_start3A_43 = arith.constant 128 : i32
    %dma_start3A_44 = tpu.memref_slice %arg4[%add3A_40, %dma_start3A_43] : memref<16384x384xf32, #tpu.memory_space<hbm>> -> memref<128x128xf32, #tpu.memory_space<hbm>>
    tpu.enqueue_dma source(%arg9 : memref<128x128xf32, #tpu.memory_space<vmem>>) target(%dma_start3A_44 : memref<128x128xf32, #tpu.memory_space<hbm>>) target_semaphore(%arg14 : memref<!tpu.dma_semaphore, #tpu.memory_space<semaphore_mem>>)
    %add3A_45 = arith.constant 256 : i32
    %add3A_46 = arith.addi %mul3A_2, %add3A_45 : i32
    %dma_wait3A_47 = tpu.memref_slice %arg3[%add3A_46] : memref<16384xi32, #tpu.memory_space<hbm>> -> memref<128xi32, #tpu.memory_space<hbm>>
    %dma_wait3A_48 = tpu.memref_slice %arg3[%add3A_46] : memref<16384xi32, #tpu.memory_space<hbm>> -> memref<128xi32, #tpu.memory_space<hbm>>
    tpu.wait_dma2 semaphore(%arg10 : memref<!tpu.dma_semaphore, #tpu.memory_space<semaphore_mem>>) src(%dma_wait3A_48 : memref<128xi32, #tpu.memory_space<hbm>>) dst(%arg6 : memref<128xi32, #tpu.memory_space<vmem>>)
    %add3A_49 = arith.constant 0 : i32
    %add3A_50 = arith.addi %mul3A_2, %add3A_49 : i32
    %dma_wait3A_51 = arith.constant 128 : i32
    %dma_wait3A_52 = tpu.memref_slice %arg4[%add3A_50, %dma_wait3A_51] : memref<16384x384xf32, #tpu.memory_space<hbm>> -> memref<128x128xf32, #tpu.memory_space<hbm>>
    %dma_wait3A_53 = arith.constant 128 : i32
    %dma_wait3A_54 = tpu.memref_slice %arg4[%add3A_50, %dma_wait3A_53] : memref<16384x384xf32, #tpu.memory_space<hbm>> -> memref<128x128xf32, #tpu.memory_space<hbm>>
    tpu.wait_dma2 semaphore(%arg13 : memref<!tpu.dma_semaphore, #tpu.memory_space<semaphore_mem>>) src(%arg8 : memref<128x128xf32, #tpu.memory_space<vmem>>) dst(%dma_wait3A_54 : memref<128x128xf32, #tpu.memory_space<hbm>>)
    %dma_start3A_55 = arith.constant 0 : i32
    %dma_start3A_56 = arith.constant 0 : i32
    %dma_start3A_57 = tpu.memref_slice %arg2[%dma_start3A_55, %dma_start3A_56] : memref<100000x128xf32, #tpu.memory_space<hbm>> -> memref<100000x128xf32, #tpu.memory_space<hbm>>
    tpu.enqueue_indirect_dma source(%dma_start3A_57 : memref<100000x128xf32, #tpu.memory_space<hbm>>) target(%arg8 : memref<128x128xf32, #tpu.memory_space<vmem>>) offsets(%arg6 : memref<128xi32, #tpu.memory_space<vmem>>) semaphore(%arg12 : memref<!tpu.dma_semaphore, #tpu.memory_space<semaphore_mem>>)
    %add3A_58 = arith.constant 384 : i32
    %add3A_59 = arith.addi %mul3A_2, %add3A_58 : i32
    %dma_start3A_60 = tpu.memref_slice %arg3[%add3A_59] : memref<16384xi32, #tpu.memory_space<hbm>> -> memref<128xi32, #tpu.memory_space<hbm>>
    %dma_start3A_61 = tpu.memref_slice %arg3[%add3A_59] : memref<16384xi32, #tpu.memory_space<hbm>> -> memref<128xi32, #tpu.memory_space<hbm>>
    tpu.enqueue_dma source(%dma_start3A_61 : memref<128xi32, #tpu.memory_space<hbm>>) target(%arg7 : memref<128xi32, #tpu.memory_space<vmem>>) target_semaphore(%arg11 : memref<!tpu.dma_semaphore, #tpu.memory_space<semaphore_mem>>)
    %dma_wait3A_62 = arith.constant 0 : i32
    %dma_wait3A_63 = arith.constant 0 : i32
    %dma_wait3A_64 = tpu.memref_slice %arg2[%dma_wait3A_62, %dma_wait3A_63] : memref<100000x128xf32, #tpu.memory_space<hbm>> -> memref<100000x128xf32, #tpu.memory_space<hbm>>
    tpu.wait_indirect_dma semaphore(%arg12 : memref<!tpu.dma_semaphore, #tpu.memory_space<semaphore_mem>>) src(%dma_wait3A_64 : memref<100000x128xf32, #tpu.memory_space<hbm>>) dst(%arg8 : memref<128x128xf32, #tpu.memory_space<vmem>>)
    %add3A_65 = arith.constant 256 : i32
    %add3A_66 = arith.addi %mul3A_2, %add3A_65 : i32
    %dma_start3A_67 = arith.constant 128 : i32
    %dma_start3A_68 = tpu.memref_slice %arg4[%add3A_66, %dma_start3A_67] : memref<16384x384xf32, #tpu.memory_space<hbm>> -> memref<128x128xf32, #tpu.memory_space<hbm>>
    %dma_start3A_69 = arith.constant 128 : i32
    %dma_start3A_70 = tpu.memref_slice %arg4[%add3A_66, %dma_start3A_69] : memref<16384x384xf32, #tpu.memory_space<hbm>> -> memref<128x128xf32, #tpu.memory_space<hbm>>
    tpu.enqueue_dma source(%arg8 : memref<128x128xf32, #tpu.memory_space<vmem>>) target(%dma_start3A_70 : memref<128x128xf32, #tpu.memory_space<hbm>>) target_semaphore(%arg13 : memref<!tpu.dma_semaphore, #tpu.memory_space<semaphore_mem>>)
    %add3A_71 = arith.constant 384 : i32
    %add3A_72 = arith.addi %mul3A_2, %add3A_71 : i32
    %dma_wait3A_73 = tpu.memref_slice %arg3[%add3A_72] : memref<16384xi32, #tpu.memory_space<hbm>> -> memref<128xi32, #tpu.memory_space<hbm>>
    %dma_wait3A_74 = tpu.memref_slice %arg3[%add3A_72] : memref<16384xi32, #tpu.memory_space<hbm>> -> memref<128xi32, #tpu.memory_space<hbm>>
    tpu.wait_dma2 semaphore(%arg11 : memref<!tpu.dma_semaphore, #tpu.memory_space<semaphore_mem>>) src(%dma_wait3A_74 : memref<128xi32, #tpu.memory_space<hbm>>) dst(%arg7 : memref<128xi32, #tpu.memory_space<vmem>>)
    %add3A_75 = arith.constant 128 : i32
    %add3A_76 = arith.addi %mul3A_2, %add3A_75 : i32
    %dma_wait3A_77 = arith.constant 128 : i32
    %dma_wait3A_78 = tpu.memref_slice %arg4[%add3A_76, %dma_wait3A_77] : memref<16384x384xf32, #tpu.memory_space<hbm>> -> memref<128x128xf32, #tpu.memory_space<hbm>>
    %dma_wait3A_79 = arith.constant 128 : i32
    %dma_wait3A_80 = tpu.memref_slice %arg4[%add3A_76, %dma_wait3A_79] : memref<16384x384xf32, #tpu.memory_space<hbm>> -> memref<128x128xf32, #tpu.memory_space<hbm>>
    tpu.wait_dma2 semaphore(%arg14 : memref<!tpu.dma_semaphore, #tpu.memory_space<semaphore_mem>>) src(%arg9 : memref<128x128xf32, #tpu.memory_space<vmem>>) dst(%dma_wait3A_80 : memref<128x128xf32, #tpu.memory_space<hbm>>)
    %dma_start3A_81 = arith.constant 0 : i32
    %dma_start3A_82 = arith.constant 0 : i32
    %dma_start3A_83 = tpu.memref_slice %arg2[%dma_start3A_81, %dma_start3A_82] : memref<100000x128xf32, #tpu.memory_space<hbm>> -> memref<100000x128xf32, #tpu.memory_space<hbm>>
    tpu.enqueue_indirect_dma source(%dma_start3A_83 : memref<100000x128xf32, #tpu.memory_space<hbm>>) target(%arg9 : memref<128x128xf32, #tpu.memory_space<vmem>>) offsets(%arg7 : memref<128xi32, #tpu.memory_space<vmem>>) semaphore(%arg12 : memref<!tpu.dma_semaphore, #tpu.memory_space<semaphore_mem>>)
    %dma_wait3A_84 = arith.constant 0 : i32
    %dma_wait3A_85 = arith.constant 0 : i32
    %dma_wait3A_86 = tpu.memref_slice %arg2[%dma_wait3A_84, %dma_wait3A_85] : memref<100000x128xf32, #tpu.memory_space<hbm>> -> memref<100000x128xf32, #tpu.memory_space<hbm>>
    tpu.wait_indirect_dma semaphore(%arg12 : memref<!tpu.dma_semaphore, #tpu.memory_space<semaphore_mem>>) src(%dma_wait3A_86 : memref<100000x128xf32, #tpu.memory_space<hbm>>) dst(%arg9 : memref<128x128xf32, #tpu.memory_space<vmem>>)
    %add3A_87 = arith.constant 384 : i32
    %add3A_88 = arith.addi %mul3A_2, %add3A_87 : i32
    %dma_start3A_89 = arith.constant 128 : i32
    %dma_start3A_90 = tpu.memref_slice %arg4[%add3A_88, %dma_start3A_89] : memref<16384x384xf32, #tpu.memory_space<hbm>> -> memref<128x128xf32, #tpu.memory_space<hbm>>
    %dma_start3A_91 = arith.constant 128 : i32
    %dma_start3A_92 = tpu.memref_slice %arg4[%add3A_88, %dma_start3A_91] : memref<16384x384xf32, #tpu.memory_space<hbm>> -> memref<128x128xf32, #tpu.memory_space<hbm>>
    tpu.enqueue_dma source(%arg9 : memref<128x128xf32, #tpu.memory_space<vmem>>) target(%dma_start3A_92 : memref<128x128xf32, #tpu.memory_space<hbm>>) target_semaphore(%arg14 : memref<!tpu.dma_semaphore, #tpu.memory_space<semaphore_mem>>)
    %add3A_93 = arith.constant 256 : i32
    %add3A_94 = arith.addi %mul3A_2, %add3A_93 : i32
    %dma_wait3A_95 = arith.constant 128 : i32
    %dma_wait3A_96 = tpu.memref_slice %arg4[%add3A_94, %dma_wait3A_95] : memref<16384x384xf32, #tpu.memory_space<hbm>> -> memref<128x128xf32, #tpu.memory_space<hbm>>
    %dma_wait3A_97 = arith.constant 128 : i32
    %dma_wait3A_98 = tpu.memref_slice %arg4[%add3A_94, %dma_wait3A_97] : memref<16384x384xf32, #tpu.memory_space<hbm>> -> memref<128x128xf32, #tpu.memory_space<hbm>>
    tpu.wait_dma2 semaphore(%arg13 : memref<!tpu.dma_semaphore, #tpu.memory_space<semaphore_mem>>) src(%arg8 : memref<128x128xf32, #tpu.memory_space<vmem>>) dst(%dma_wait3A_98 : memref<128x128xf32, #tpu.memory_space<hbm>>)
    %add3A_99 = arith.constant 384 : i32
    %add3A_100 = arith.addi %mul3A_2, %add3A_99 : i32
    %dma_wait3A_101 = arith.constant 128 : i32
    %dma_wait3A_102 = tpu.memref_slice %arg4[%add3A_100, %dma_wait3A_101] : memref<16384x384xf32, #tpu.memory_space<hbm>> -> memref<128x128xf32, #tpu.memory_space<hbm>>
    %dma_wait3A_103 = arith.constant 128 : i32
    %dma_wait3A_104 = tpu.memref_slice %arg4[%add3A_100, %dma_wait3A_103] : memref<16384x384xf32, #tpu.memory_space<hbm>> -> memref<128x128xf32, #tpu.memory_space<hbm>>
    tpu.wait_dma2 semaphore(%arg14 : memref<!tpu.dma_semaphore, #tpu.memory_space<semaphore_mem>>) src(%arg9 : memref<128x128xf32, #tpu.memory_space<vmem>>) dst(%dma_wait3A_104 : memref<128x128xf32, #tpu.memory_space<hbm>>)
    return
  }
}

#map = affine_map<(d0, d1) -> (0, 0)>
#map1 = affine_map<(d0, d1) -> (0)>
module attributes {stable_mosaic.version = 14 : i64} {
  func.func @new_body(%arg0: i32, %arg1: i32, %arg2: memref<100000x128xf32, #tpu.memory_space<hbm>>, %arg3: memref<16384xi32, #tpu.memory_space<hbm>>, %arg4: memref<16384xi32, #tpu.memory_space<hbm>>, %arg5: memref<16384x128xf32, #tpu.memory_space<hbm>>, %arg6: memref<16384x384xf32, #tpu.memory_space<hbm>>, %arg7: memref<16384x128xf32, #tpu.memory_space<hbm>>, %arg8: memref<16384x384xf32, #tpu.memory_space<hbm>>, %arg9: memref<128xi32, #tpu.memory_space<vmem>>, %arg10: memref<128xi32, #tpu.memory_space<vmem>>, %arg11: memref<128x128xf32, #tpu.memory_space<vmem>>, %arg12: memref<128x128xf32, #tpu.memory_space<vmem>>, %arg13: memref<512x128xf32, #tpu.memory_space<vmem>>, %arg14: memref<!tpu.dma_semaphore, #tpu.memory_space<semaphore_mem>>, %arg15: memref<!tpu.dma_semaphore, #tpu.memory_space<semaphore_mem>>) attributes {dimension_semantics = [#tpu.dimension_semantics<core_parallel>, #tpu.dimension_semantics<subcore_parallel>], iteration_bounds = array<i64: 2, 16>, scalar_prefetch = 0 : i64, scratch_operands = 7 : i64, tpu.core_type = #tpu.core_type<sc_vector_subcore>, window_params = [{transform_indices = #map}, {transform_indices = #map1}, {transform_indices = #map1}, {transform_indices = #map}, {transform_indices = #map}, {transform_indices = #map}, {transform_indices = #map}]} {
    %mul3A = arith.constant 2 : i32
    %mul3A_0 = arith.muli %arg1, %mul3A : i32
    %add3A = arith.addi %mul3A_0, %arg0 : i32
    %mul3A_1 = arith.constant 512 : i32
    %mul3A_2 = arith.muli %add3A, %mul3A_1 : i32
    %dma_start3A = arith.constant 0 : i32
    %dma_start3A_3 = tpu.memref_slice %arg5[%mul3A_2, %dma_start3A] : memref<16384x128xf32, #tpu.memory_space<hbm>> -> memref<512x128xf32, #tpu.memory_space<hbm>>
    %dma_start3A_4 = arith.constant 0 : i32
    %dma_start3A_5 = tpu.memref_slice %arg5[%mul3A_2, %dma_start3A_4] : memref<16384x128xf32, #tpu.memory_space<hbm>> -> memref<512x128xf32, #tpu.memory_space<hbm>>
    tpu.enqueue_dma source(%dma_start3A_5 : memref<512x128xf32, #tpu.memory_space<hbm>>) target(%arg13 : memref<512x128xf32, #tpu.memory_space<vmem>>) target_semaphore(%arg15 : memref<!tpu.dma_semaphore, #tpu.memory_space<semaphore_mem>>)
    %scan3A = arith.constant 0 : i32
    %scan3A_6 = arith.constant 0 : i32
    %scan3A_7 = arith.constant 4 : i32
    %scan3A_8 = arith.addi %scan3A_6, %scan3A_7 : i32
    %scan3A_9 = arith.constant 1 : i32
    scf.for %scan3A_22 = %scan3A_6 to %scan3A_8 step %scan3A_9  : i32 {
      %mul3A_23 = arith.constant 128 : i32
      %mul3A_24 = arith.muli %scan3A_22, %mul3A_23 : i32
      %add3A_25 = arith.addi %mul3A_2, %mul3A_24 : i32
      %dma_start3A_26 = tpu.memref_slice %arg3[%add3A_25] : memref<16384xi32, #tpu.memory_space<hbm>> -> memref<128xi32, #tpu.memory_space<hbm>>
      %dma_start3A_27 = tpu.memref_slice %arg3[%add3A_25] : memref<16384xi32, #tpu.memory_space<hbm>> -> memref<128xi32, #tpu.memory_space<hbm>>
      tpu.enqueue_dma source(%dma_start3A_27 : memref<128xi32, #tpu.memory_space<hbm>>) target(%arg9 : memref<128xi32, #tpu.memory_space<vmem>>) target_semaphore(%arg14 : memref<!tpu.dma_semaphore, #tpu.memory_space<semaphore_mem>>)
      %dma_start3A_28 = tpu.memref_slice %arg4[%add3A_25] : memref<16384xi32, #tpu.memory_space<hbm>> -> memref<128xi32, #tpu.memory_space<hbm>>
      %dma_start3A_29 = tpu.memref_slice %arg4[%add3A_25] : memref<16384xi32, #tpu.memory_space<hbm>> -> memref<128xi32, #tpu.memory_space<hbm>>
      tpu.enqueue_dma source(%dma_start3A_29 : memref<128xi32, #tpu.memory_space<hbm>>) target(%arg10 : memref<128xi32, #tpu.memory_space<vmem>>) target_semaphore(%arg14 : memref<!tpu.dma_semaphore, #tpu.memory_space<semaphore_mem>>)
      %dma_wait3A_30 = tpu.memref_slice %arg3[%add3A_25] : memref<16384xi32, #tpu.memory_space<hbm>> -> memref<128xi32, #tpu.memory_space<hbm>>
      %dma_wait3A_31 = tpu.memref_slice %arg3[%add3A_25] : memref<16384xi32, #tpu.memory_space<hbm>> -> memref<128xi32, #tpu.memory_space<hbm>>
      tpu.wait_dma2 semaphore(%arg14 : memref<!tpu.dma_semaphore, #tpu.memory_space<semaphore_mem>>) src(%dma_wait3A_31 : memref<128xi32, #tpu.memory_space<hbm>>) dst(%arg9 : memref<128xi32, #tpu.memory_space<vmem>>)
      %dma_wait3A_32 = tpu.memref_slice %arg4[%add3A_25] : memref<16384xi32, #tpu.memory_space<hbm>> -> memref<128xi32, #tpu.memory_space<hbm>>
      %dma_wait3A_33 = tpu.memref_slice %arg4[%add3A_25] : memref<16384xi32, #tpu.memory_space<hbm>> -> memref<128xi32, #tpu.memory_space<hbm>>
      tpu.wait_dma2 semaphore(%arg14 : memref<!tpu.dma_semaphore, #tpu.memory_space<semaphore_mem>>) src(%dma_wait3A_33 : memref<128xi32, #tpu.memory_space<hbm>>) dst(%arg10 : memref<128xi32, #tpu.memory_space<vmem>>)
      %dma_start3A_34 = arith.constant 0 : i32
      %dma_start3A_35 = arith.constant 0 : i32
      %dma_start3A_36 = tpu.memref_slice %arg2[%dma_start3A_34, %dma_start3A_35] : memref<100000x128xf32, #tpu.memory_space<hbm>> -> memref<100000x128xf32, #tpu.memory_space<hbm>>
      tpu.enqueue_indirect_dma source(%dma_start3A_36 : memref<100000x128xf32, #tpu.memory_space<hbm>>) target(%arg11 : memref<128x128xf32, #tpu.memory_space<vmem>>) offsets(%arg9 : memref<128xi32, #tpu.memory_space<vmem>>) semaphore(%arg14 : memref<!tpu.dma_semaphore, #tpu.memory_space<semaphore_mem>>)
      %dma_start3A_37 = arith.constant 0 : i32
      %dma_start3A_38 = arith.constant 0 : i32
      %dma_start3A_39 = tpu.memref_slice %arg2[%dma_start3A_37, %dma_start3A_38] : memref<100000x128xf32, #tpu.memory_space<hbm>> -> memref<100000x128xf32, #tpu.memory_space<hbm>>
      tpu.enqueue_indirect_dma source(%dma_start3A_39 : memref<100000x128xf32, #tpu.memory_space<hbm>>) target(%arg12 : memref<128x128xf32, #tpu.memory_space<vmem>>) offsets(%arg10 : memref<128xi32, #tpu.memory_space<vmem>>) semaphore(%arg14 : memref<!tpu.dma_semaphore, #tpu.memory_space<semaphore_mem>>)
      %dma_wait3A_40 = arith.constant 0 : i32
      %dma_wait3A_41 = arith.constant 0 : i32
      %dma_wait3A_42 = tpu.memref_slice %arg2[%dma_wait3A_40, %dma_wait3A_41] : memref<100000x128xf32, #tpu.memory_space<hbm>> -> memref<100000x128xf32, #tpu.memory_space<hbm>>
      tpu.wait_indirect_dma semaphore(%arg14 : memref<!tpu.dma_semaphore, #tpu.memory_space<semaphore_mem>>) src(%dma_wait3A_42 : memref<100000x128xf32, #tpu.memory_space<hbm>>) dst(%arg11 : memref<128x128xf32, #tpu.memory_space<vmem>>)
      %dma_wait3A_43 = arith.constant 0 : i32
      %dma_wait3A_44 = arith.constant 0 : i32
      %dma_wait3A_45 = tpu.memref_slice %arg2[%dma_wait3A_43, %dma_wait3A_44] : memref<100000x128xf32, #tpu.memory_space<hbm>> -> memref<100000x128xf32, #tpu.memory_space<hbm>>
      tpu.wait_indirect_dma semaphore(%arg14 : memref<!tpu.dma_semaphore, #tpu.memory_space<semaphore_mem>>) src(%dma_wait3A_45 : memref<100000x128xf32, #tpu.memory_space<hbm>>) dst(%arg12 : memref<128x128xf32, #tpu.memory_space<vmem>>)
      %dma_start3A_46 = arith.constant 0 : i32
      %dma_start3A_47 = tpu.memref_slice %arg6[%add3A_25, %dma_start3A_46] : memref<16384x384xf32, #tpu.memory_space<hbm>> -> memref<128x128xf32, #tpu.memory_space<hbm>>
      %dma_start3A_48 = arith.constant 0 : i32
      %dma_start3A_49 = tpu.memref_slice %arg6[%add3A_25, %dma_start3A_48] : memref<16384x384xf32, #tpu.memory_space<hbm>> -> memref<128x128xf32, #tpu.memory_space<hbm>>
      tpu.enqueue_dma source(%arg11 : memref<128x128xf32, #tpu.memory_space<vmem>>) target(%dma_start3A_49 : memref<128x128xf32, #tpu.memory_space<hbm>>) target_semaphore(%arg14 : memref<!tpu.dma_semaphore, #tpu.memory_space<semaphore_mem>>)
      %dma_start3A_50 = arith.constant 0 : i32
      %dma_start3A_51 = tpu.memref_slice %arg7[%add3A_25, %dma_start3A_50] : memref<16384x128xf32, #tpu.memory_space<hbm>> -> memref<128x128xf32, #tpu.memory_space<hbm>>
      %dma_start3A_52 = arith.constant 0 : i32
      %dma_start3A_53 = tpu.memref_slice %arg7[%add3A_25, %dma_start3A_52] : memref<16384x128xf32, #tpu.memory_space<hbm>> -> memref<128x128xf32, #tpu.memory_space<hbm>>
      tpu.enqueue_dma source(%arg12 : memref<128x128xf32, #tpu.memory_space<vmem>>) target(%dma_start3A_53 : memref<128x128xf32, #tpu.memory_space<hbm>>) target_semaphore(%arg14 : memref<!tpu.dma_semaphore, #tpu.memory_space<semaphore_mem>>)
      %dma_wait3A_54 = arith.constant 0 : i32
      %dma_wait3A_55 = tpu.memref_slice %arg6[%add3A_25, %dma_wait3A_54] : memref<16384x384xf32, #tpu.memory_space<hbm>> -> memref<128x128xf32, #tpu.memory_space<hbm>>
      %dma_wait3A_56 = arith.constant 0 : i32
      %dma_wait3A_57 = tpu.memref_slice %arg6[%add3A_25, %dma_wait3A_56] : memref<16384x384xf32, #tpu.memory_space<hbm>> -> memref<128x128xf32, #tpu.memory_space<hbm>>
      tpu.wait_dma2 semaphore(%arg14 : memref<!tpu.dma_semaphore, #tpu.memory_space<semaphore_mem>>) src(%arg11 : memref<128x128xf32, #tpu.memory_space<vmem>>) dst(%dma_wait3A_57 : memref<128x128xf32, #tpu.memory_space<hbm>>)
      %dma_wait3A_58 = arith.constant 0 : i32
      %dma_wait3A_59 = tpu.memref_slice %arg7[%add3A_25, %dma_wait3A_58] : memref<16384x128xf32, #tpu.memory_space<hbm>> -> memref<128x128xf32, #tpu.memory_space<hbm>>
      %dma_wait3A_60 = arith.constant 0 : i32
      %dma_wait3A_61 = tpu.memref_slice %arg7[%add3A_25, %dma_wait3A_60] : memref<16384x128xf32, #tpu.memory_space<hbm>> -> memref<128x128xf32, #tpu.memory_space<hbm>>
      tpu.wait_dma2 semaphore(%arg14 : memref<!tpu.dma_semaphore, #tpu.memory_space<semaphore_mem>>) src(%arg12 : memref<128x128xf32, #tpu.memory_space<vmem>>) dst(%dma_wait3A_61 : memref<128x128xf32, #tpu.memory_space<hbm>>)
    }
    %scan3A_10 = arith.constant 4 : i32
    %dma_wait3A = arith.constant 0 : i32
    %dma_wait3A_11 = tpu.memref_slice %arg5[%mul3A_2, %dma_wait3A] : memref<16384x128xf32, #tpu.memory_space<hbm>> -> memref<512x128xf32, #tpu.memory_space<hbm>>
    %dma_wait3A_12 = arith.constant 0 : i32
    %dma_wait3A_13 = tpu.memref_slice %arg5[%mul3A_2, %dma_wait3A_12] : memref<16384x128xf32, #tpu.memory_space<hbm>> -> memref<512x128xf32, #tpu.memory_space<hbm>>
    tpu.wait_dma2 semaphore(%arg15 : memref<!tpu.dma_semaphore, #tpu.memory_space<semaphore_mem>>) src(%dma_wait3A_13 : memref<512x128xf32, #tpu.memory_space<hbm>>) dst(%arg13 : memref<512x128xf32, #tpu.memory_space<vmem>>)
    %dma_start3A_14 = arith.constant 256 : i32
    %dma_start3A_15 = tpu.memref_slice %arg6[%mul3A_2, %dma_start3A_14] : memref<16384x384xf32, #tpu.memory_space<hbm>> -> memref<512x128xf32, #tpu.memory_space<hbm>>
    %dma_start3A_16 = arith.constant 256 : i32
    %dma_start3A_17 = tpu.memref_slice %arg6[%mul3A_2, %dma_start3A_16] : memref<16384x384xf32, #tpu.memory_space<hbm>> -> memref<512x128xf32, #tpu.memory_space<hbm>>
    tpu.enqueue_dma source(%arg13 : memref<512x128xf32, #tpu.memory_space<vmem>>) target(%dma_start3A_17 : memref<512x128xf32, #tpu.memory_space<hbm>>) target_semaphore(%arg15 : memref<!tpu.dma_semaphore, #tpu.memory_space<semaphore_mem>>)
    %dma_wait3A_18 = arith.constant 256 : i32
    %dma_wait3A_19 = tpu.memref_slice %arg6[%mul3A_2, %dma_wait3A_18] : memref<16384x384xf32, #tpu.memory_space<hbm>> -> memref<512x128xf32, #tpu.memory_space<hbm>>
    %dma_wait3A_20 = arith.constant 256 : i32
    %dma_wait3A_21 = tpu.memref_slice %arg6[%mul3A_2, %dma_wait3A_20] : memref<16384x384xf32, #tpu.memory_space<hbm>> -> memref<512x128xf32, #tpu.memory_space<hbm>>
    tpu.wait_dma2 semaphore(%arg15 : memref<!tpu.dma_semaphore, #tpu.memory_space<semaphore_mem>>) src(%arg13 : memref<512x128xf32, #tpu.memory_space<vmem>>) dst(%dma_wait3A_21 : memref<512x128xf32, #tpu.memory_space<hbm>>)
    return
  }
}

module attributes {stable_mosaic.version = 14 : i64} {
  func.func @_tconcat_body(%arg0: i32, %arg1: memref<64x12800xf32, #tpu.memory_space<vmem>>, %arg2: memref<64x12800xf32, #tpu.memory_space<vmem>>, %arg3: memref<12800x128xf32, #tpu.memory_space<vmem>>) attributes {dimension_semantics = [#tpu.dimension_semantics<arbitrary>], iteration_bounds = array<i64: 8>, scalar_prefetch = 0 : i64, scratch_operands = 0 : i64, tpu.core_type = #tpu.core_type<tc>, window_params = [{transform_indices = @transform_0, window_bounds = array<i64: 64, 12800>}, {transform_indices = @transform_1, window_bounds = array<i64: 64, 12800>}, {transform_indices = @transform_2, window_bounds = array<i64: 12800, 128>}]} {
    %get3A = arith.constant 0 : index
    %get3A_0 = arith.constant 0 : index
    %get3A_1 = vector.load %arg1[%get3A, %get3A_0] : memref<64x12800xf32, #tpu.memory_space<vmem>>, vector<64x12800xf32>
    %transpose3A = tpu.transpose %get3A_1, [1, 0] : vector<64x12800xf32> -> vector<12800x64xf32>
    %swap3A = arith.constant 0 : index
    %swap3A_2 = arith.constant 0 : index
    %swap3A_3 = vector.load %arg3[%swap3A, %swap3A_2] : memref<12800x128xf32, #tpu.memory_space<vmem>>, vector<12800x64xf32>
    tpu.vector_store %arg3[%swap3A, %swap3A_2], %transpose3A {strides = array<i32>} : memref<12800x128xf32, #tpu.memory_space<vmem>>, vector<12800x64xf32>,
    %get3A_4 = arith.constant 0 : index
    %get3A_5 = arith.constant 0 : index
    %get3A_6 = vector.load %arg2[%get3A_4, %get3A_5] : memref<64x12800xf32, #tpu.memory_space<vmem>>, vector<64x12800xf32>
    %transpose3A_7 = tpu.transpose %get3A_6, [1, 0] : vector<64x12800xf32> -> vector<12800x64xf32>
    %swap3A_8 = arith.constant 0 : index
    %swap3A_9 = arith.constant 64 : index
    %swap3A_10 = vector.load %arg3[%swap3A_8, %swap3A_9] : memref<12800x128xf32, #tpu.memory_space<vmem>>, vector<12800x64xf32>
    tpu.vector_store %arg3[%swap3A_8, %swap3A_9], %transpose3A_7 {strides = array<i32>} : memref<12800x128xf32, #tpu.memory_space<vmem>>, vector<12800x64xf32>,
    return
  }
  func.func @transform_0(%arg0: i32) -> (i32, i32) {
    %c0_i32 = arith.constant 0 : i32
    %c0_i32_0 = arith.constant 0 : i32
    return %c0_i32, %arg0 : i32, i32
  }
  func.func @transform_1(%arg0: i32) -> (i32, i32) {
    %c0_i32 = arith.constant 0 : i32
    %c0_i32_0 = arith.constant 0 : i32
    return %c0_i32, %arg0 : i32, i32
  }
  func.func @transform_2(%arg0: i32) -> (i32, i32) {
    %c0_i32 = arith.constant 0 : i32
    %c0_i32_0 = arith.constant 0 : i32
    return %arg0, %c0_i32 : i32, i32
  }
}

module attributes {stable_mosaic.version = 14 : i64} {
  func.func @_cargo_body(%arg0: i32, %arg1: memref<4096x128xf32, #tpu.memory_space<vmem>>, %arg2: memref<64x4096xf32, #tpu.memory_space<vmem>>, %arg3: memref<192x4096xf32, #tpu.memory_space<vmem>>) attributes {dimension_semantics = [#tpu.dimension_semantics<arbitrary>], iteration_bounds = array<i64: 4>, scalar_prefetch = 0 : i64, scratch_operands = 0 : i64, tpu.core_type = #tpu.core_type<tc>, window_params = [{transform_indices = @transform_0, window_bounds = array<i64: 4096, 128>}, {transform_indices = @transform_1, window_bounds = array<i64: 64, 4096>}, {transform_indices = @transform_2, window_bounds = array<i64: 192, 4096>}]} {
    %get3A = arith.constant 0 : index
    %get3A_0 = arith.constant 0 : index
    %get3A_1 = vector.load %arg1[%get3A, %get3A_0] : memref<4096x128xf32, #tpu.memory_space<vmem>>, vector<4096x128xf32>
    %transpose3A = tpu.transpose %get3A_1, [1, 0] : vector<4096x128xf32> -> vector<128x4096xf32>
    %swap3A = arith.constant 0 : index
    %swap3A_2 = arith.constant 0 : index
    %swap3A_3 = vector.load %arg3[%swap3A, %swap3A_2] : memref<192x4096xf32, #tpu.memory_space<vmem>>, vector<128x4096xf32>
    tpu.vector_store %arg3[%swap3A, %swap3A_2], %transpose3A {strides = array<i32>} : memref<192x4096xf32, #tpu.memory_space<vmem>>, vector<128x4096xf32>,
    %get3A_4 = arith.constant 0 : index
    %get3A_5 = arith.constant 0 : index
    %get3A_6 = vector.load %arg2[%get3A_4, %get3A_5] : memref<64x4096xf32, #tpu.memory_space<vmem>>, vector<64x4096xf32>
    %swap3A_7 = arith.constant 128 : index
    %swap3A_8 = arith.constant 0 : index
    %swap3A_9 = vector.load %arg3[%swap3A_7, %swap3A_8] : memref<192x4096xf32, #tpu.memory_space<vmem>>, vector<64x4096xf32>
    tpu.vector_store %arg3[%swap3A_7, %swap3A_8], %get3A_6 {strides = array<i32>} : memref<192x4096xf32, #tpu.memory_space<vmem>>, vector<64x4096xf32>,
    return
  }
  func.func @transform_0(%arg0: i32) -> (i32, i32) {
    %c0_i32 = arith.constant 0 : i32
    %c0_i32_0 = arith.constant 0 : i32
    return %arg0, %c0_i32 : i32, i32
  }
  func.func @transform_1(%arg0: i32) -> (i32, i32) {
    %c0_i32 = arith.constant 0 : i32
    %c0_i32_0 = arith.constant 0 : i32
    return %c0_i32, %arg0 : i32, i32
  }
  func.func @transform_2(%arg0: i32) -> (i32, i32) {
    %c0_i32 = arith.constant 0 : i32
    %c0_i32_0 = arith.constant 0 : i32
    return %c0_i32, %arg0 : i32, i32
  }
}

</mosaic_0001>

<sc_bundles>
// kernel: kernel.10.cloned.1.call-start
scs
__scs_entry_jumppad:
0x0: {  	(pc) =	sbr.rel $0x88, $3  }
0x1: {  	(tag) =	ssettag $0x0;
	lr =	simm.s32 $0x1  }
0x2: {  	[smem:$0x3F98] =	sst lr;
	_ =	strace $0xD0000000  }
0x3: {  	_ = 	snop  }
0x4: {  	_ = 	snop  }
0x5: {  	_ = 	snop  }
0x6: {  	_ = 	snop  }
0x7: {  	_ = 	snop  }
__scs_overlays_trampoline_lowered:
0x8: {  	[smem:$0x3FA7] =	sst s0  }
0x9: {  	[smem:$0x3FA8] =	sst s1  }
0xa: {  	[smem:$0x3FA9] =	sst s2  }
0xb: {  	[smem:$0x3FAA] =	sst s3  }
0xc: {  	[smem:$0x3FAB] =	sst s4  }
0xd: {  	[smem:$0x3FAC] =	sst s5  }
0xe: {  	[smem:$0x3FAD] =	sst s6  }
0xf: {  	[smem:$0x3FAE] =	sst s7  }
0x10: {  	[smem:$0x3FAF] =	sst s8  }
0x11: {  	[smem:$0x3FB0] =	sst s9;
	s0 =	simm.s32 @!p0 $0x0  }
0x12: {  	s1 =	sld [smem:$0x3F96];
	s0 =	simm.s32 @p0 $0x1  }
0x13: {  	[smem:$0x3FB1] =	sst s0;
	s0 =	simm.s32 @!p1 $0x0  }
0x14: {  	s2 =	sld [smem:$0x3F95];
	s0 =	simm.s32 @p1 $0x1  }
0x15: {  	[smem:$0x3FB2] =	sst s0;
	s0 =	simm.s32 @!p2 $0x0  }
0x16: {  	s3 =	sld [smem:$0x3FDB];
	s0 =	simm.s32 @p2 $0x1  }
0x17: {  	s4 =	simm.s32 $0x1BF5;
	[smem:$0x3FB4] =	sst s0  }
0x18: {  	s0 =	sld [smem:$0x3F97];
	_ =	swait.ge [sflag:s4], $0x0  }
0x19: {  	s7 =	sld [smem:$0x3F98]  }
0x1a: {  	s8 =	sadd.s32 $0xFFFFE003, lr  }
0x1b: {  	s9 =	sadd.s32 $0xFFFFFEF7, lr;
	s5 =	simm.s32 $0xFFFFFFFF;
	p2 =	slt.u32 s8, $0xFFFFF086  }
0x1c: {  	p1 =	slt.u32 s9, $0xF7A;
	s5 =	simm.s32 @!p2 $0x0  }
0x1d: {  	s5 =	simm.s32 @p1 $0x1;
	p0 =	seq.s32 s7, s2  }
0x1e: {  	s7 =	smul.u32 @!p0 $0xF7A, s2;
	p2 =	seq.s32 @!p0 s5, $0x0  }
0x1f: {  	s9 =	smul.u32 $0xF7A, s1;
	s8 =	simm.s32 @!p0 $0x1BF5;
	p2 =	por !p2, p0  }
0x20: {  	[sflag:s8] =	ssyncset.s32 @!p0 $0xFFFFF086;
	s6 =	sadd.s32 @!p0 s3, s7;
	s7 =	simm.s32 @!p0 $0x108  }
0x21: {  	s3 =	sadd.s32 s3, s9;
	s6 =	sadd.s32 @!p0 $0x88, s6;
	s7 =	simm.s32 @p2 $0x1082  }
0x22: {  	[simem:s7], [sflag:s8] =	dma.local @!p0 [hbm:s6], $0xF7A  }
0x23: {  	s9 =	sor.u32 $0xD0000000, s2;
	s6 =	simm.s32 $0x108;
	_ =	swait.ge @!p0 [sflag:s8], $0x0  }
0x24: {  	s3 =	sadd.s32 $0x88, s3;
	s6 =	simm.s32 @!p1 $0x1082;
	[sflag:s4] =	ssyncset.s32 $0xFFFFF086  }
0x25: {  	[simem:s6], [sflag:s4] =	dma.local [hbm:s3], $0xF7A  }
0x26: {  	[smem:$0x3F98] =	sst s1;
	(tag) =	ssettag s2;
	_ =	strace s9  }
0x27: {  	s1 =	sld [smem:$0x3FA8]  }
0x28: {  	s2 =	sld [smem:$0x3FA9]  }
0x29: {  	s4 =	sld [smem:$0x3FAB]  }
0x2a: {  	p0 =	seq.s32 s5, $0x0;
	s5 =	sld [smem:$0x3FAC]  }
0x2b: {  	s6 =	sld [smem:$0x3FAD]  }
0x2c: {  	s7 =	sld [smem:$0x3FAE]  }
0x2d: {  	s3 =	simm.s32 $0x108;
	s8 =	sld [smem:$0x3FAF]  }
0x2e: {  	s3 =	simm.s32 @!p0 $0x1082;
	s9 =	sld [smem:$0x3FB0]  }
0x2f: {  	lr =	sadd.s32 s0, s3;
	s0 =	sld [smem:$0x3FA7]  }
0x30: {  	s3 =	sld [smem:$0x3FAA]  }
0x31: {  	[smem:$0x3FB3] =	sst s10  }
0x32: {  	s10 =	sld [smem:$0x3FB1];
	_ =	sdelay $0x3  }
0x33: {  	p0 =	seq.s32 s10, $0x1;
	s10 =	sld [smem:$0x3FB3];
	_ =	sdelay $0x3  }
0x34: {  	[smem:$0x3FB3] =	sst s10  }
0x35: {  	s10 =	sld [smem:$0x3FB2];
	_ =	sdelay $0x3  }
0x36: {  	p1 =	seq.s32 s10, $0x1;
	s10 =	sld [smem:$0x3FB3];
	_ =	sdelay $0x3  }
0x37: {  	[smem:$0x3FB3] =	sst s10  }
0x38: {  	s10 =	sld [smem:$0x3FB4]  }
0x39: {  	_ = 	snop;
	(pc) =	sbr.ind lr, $3  }
0x3a: {  	_ = 	snop  }
0x3b: {  	_ = 	snop  }
0x3c: {  	p2 =	seq.s32 s10, $0x1;
	s10 =	sld [smem:$0x3FB3]  }
0x3d: {  	_ =	shalt  }
0x3e: {  	_ =	shalt  }
0x3f: {  	_ =	shalt  }
0x40: {  	_ =	shalt  }
0x41: {  	_ =	shalt  }
0x42: {  	_ =	shalt  }
0x43: {  	_ =	shalt  }
0x44: {  	_ =	shalt  }
0x45: {  	_ =	shalt  }
0x46: {  	_ =	shalt  }
0x47: {  	_ =	shalt  }
0x48: {  	_ =	shalt  }
0x49: {  	_ =	shalt  }
0x4a: {  	_ =	shalt  }
0x4b: {  	_ =	shalt  }
0x4c: {  	_ =	shalt  }
0x4d: {  	_ =	shalt  }
0x4e: {  	_ =	shalt  }
0x4f: {  	_ =	shalt  }
0x50: {  	_ =	shalt  }
0x51: {  	_ =	shalt  }
0x52: {  	_ =	shalt  }
0x53: {  	_ =	shalt  }
0x54: {  	_ =	shalt  }
0x55: {  	_ =	shalt  }
0x56: {  	_ =	shalt  }
0x57: {  	_ =	shalt  }
0x58: {  	_ =	shalt  }
0x59: {  	_ =	shalt  }
0x5a: {  	_ =	shalt  }
0x5b: {  	_ =	shalt  }
0x5c: {  	_ =	shalt  }
0x5d: {  	_ =	shalt  }
0x5e: {  	_ =	shalt  }
0x5f: {  	_ =	shalt  }
0x60: {  	_ =	shalt  }
0x61: {  	_ =	shalt  }
0x62: {  	_ =	shalt  }
0x63: {  	_ =	shalt  }
0x64: {  	_ =	shalt  }
0x65: {  	_ =	shalt  }
0x66: {  	_ =	shalt  }
0x67: {  	_ =	shalt  }
0x68: {  	_ =	shalt  }
0x69: {  	_ =	shalt  }
0x6a: {  	_ =	shalt  }
0x6b: {  	_ =	shalt  }
0x6c: {  	_ =	shalt  }
0x6d: {  	_ =	shalt  }
0x6e: {  	_ =	shalt  }
0x6f: {  	_ =	shalt  }
0x70: {  	_ =	shalt  }
0x71: {  	_ =	shalt  }
0x72: {  	_ =	shalt  }
0x73: {  	_ =	shalt  }
0x74: {  	_ =	shalt  }
0x75: {  	_ =	shalt  }
0x76: {  	_ =	shalt  }
0x77: {  	_ =	shalt  }
0x78: {  	_ =	shalt  }
0x79: {  	_ =	shalt  }
0x7a: {  	_ =	shalt  }
0x7b: {  	_ =	shalt  }
0x7c: {  	_ =	shalt  }
0x7d: {  	_ =	shalt  }
0x7e: {  	_ =	shalt  }
0x7f: {  	_ =	shalt  }
0x80: {  	_ =	shalt  }
0x81: {  	_ =	shalt  }
0x82: {  	_ =	shalt  }
0x83: {  	_ =	shalt  }
0x84: {  	_ =	shalt  }
0x85: {  	_ =	shalt  }
0x86: {  	_ =	shalt  }
0x87: {  	_ =	shalt  }
.Lfunc_end0:
.L_simem_size_0:
called_computation.1_lowered:
.L_overlay_start_0:
0x88: {  	s2 =	sld [smem:$0x3FD9]  }
0x89: {  	s3 =	sld [smem:$0x3FFE];
	_ =	sdelay $0x1  }
0x8a: {  	s1 =	srdreg.scid  }
0x8b: {  	s0 =	sand.u32 $0x1, s1  }
0x8c: {  	s15 =	sshll.u32 s0, $0xA;
	s2 =	sadd.s32 s3, s2  }
0x8d: {  	s2 =	sadd.s32 s2, s15  }
0x8e: {  	[smem:$0x3FBF] =	sst s2  }
0x8f: {  	_ = 	snop  }
0x90: {  	s2 =	sld [smem:$0x3FD0];
	_ =	sdelay $0x2  }
0x91: {  	s4 =	simm.s32 $0xA;
	s5 =	simm.s32 $0x10;
	s16 =	sld [smem:$0x3FC4]  }
0x92: {  	[smem:s5], [sflag:s4] =	dma.local [hbm:s2], $0x1  }
0x93: {  	_ =	swait.eq [sflag:s4], $0x1  }
0x94: {  	[sflag:s4] =	ssyncset.done $0x0  }
0x95: {  	s17 =	sld [smem:$0x10];
	[sflag:s4] =	ssyncadd.s32 $0xFFFFFFFF  }
0x96: {  	s18 =	sld [smem:$0x12];
	(tm) =	ssettm $0x1  }
0x97: {  	s19 =	sld [smem:$0x3FFB];
	_ =	sdelay $0x3  }
0x98: {  	_ =	strace s19  }
0x99: {  	s5 =	sld [smem:$0x3FFC];
	_ =	sdelay $0x3  }
0x9a: {  	_ =	strace s5  }
0x9b: {  	s5 =	sld [smem:$0x3FFD];
	_ =	sdelay $0x3  }
0x9c: {  	_ =	strace s5  }
0x9d: {  	_ =	strace $0x8FFFFFFF  }
0x9e: {  	s20 =	sld [smem:$0x3FDB];
	_ =	sdelay $0x1  }
0x9f: {  	s6 =	simm.s32 $_scs_section_size  }
0xa0: {  	s7 =	simm.s32 $_size__tile_overlayer_lowered;
	s8 =	simm.s32 $_tile_overlayer_lowered  }
0xa1: {  	s23 =	simm.s32 $0x1BFF;
	s22 =	sshll.u32 s8, $0x1;
	s5 =	sadd.s32 s6, s20  }
0xa2: {  	s9 =	simm.s32 $0x0;
	s21 =	sshll.u32 s7, $0x1;
	s7 =	sadd.s32 s22, s5  }
0xa3: {  	[timem:s9], [sflag:s23] =	dma.local [hbm:s7], s21  }
0xa4: {  	_ =	swait.ge [sflag:s23], s21  }
0xa5: {  	s6 =	ssub.s32 $0x0, s21;
	[sflag:s23] =	ssyncset.done $0x0  }
0xa6: {  	[sflag:s23] =	ssyncadd.s32 s6;
	_ =	sdelay $0x1  }
0xa7: {  	s24 =	simm.s32 $0x1B8B  }
0xa8: {  	_ =	swait.ge [sflag:s24], $0x1  }
0xa9: {  	[sflag:s24] =	ssyncset.done $0x0  }
0xaa: {  	s25 =	simm.s32 $0x1B8E;
	[sflag:s24] =	ssyncadd.s32 $0xFFFFFFFF  }
0xab: {  	s26 =	simm.s32 $execute0_lowered;
	[smem:$0x3FD2] =	sst s25  }
0xac: {  	s6 =	sshll.u32 s26, $0x1;
	_ =	strace $0x80000049;
	[dreg:$0x1] =	wrdreg $0xFFFFFFFF  }
0xad: {  	s28 =	simm.s32 $_size_execute0_lowered;
	s5 =	sadd.s32 s5, s6;
	[dreg:$0x0] =	wrdreg $0x0  }
0xae: {  	s6 =	sshll.u32 s28, $0x1;
	[dreg:$0x2] =	wrdreg s5  }
0xaf: {  	[dreg:$0x3] =	wrdreg s6  }
0xb0: {  	[dreg:$0x4] =	wrdreg $0xC0  }
0xb1: {  	_ =	task [dreg:s9], $0x5FFFF  }
0xb2: {  	[dreg:$0x1] =	wrdreg $0xFFFFFFFF  }
0xb3: {  	[dreg:$0x0] =	wrdreg $0x60  }
0xb4: {  	[dreg:$0x2] =	wrdreg s17  }
0xb5: {  	[dreg:$0x3] =	wrdreg s16  }
0xb6: {  	[dreg:$0x4] =	wrdreg s18  }
0xb7: {  	[dreg:$0x5] =	wrdreg $0x9  }
0xb8: {  	_ =	task.clear_ibuf [dreg:s9], $0x6FFFF;
	_ =	strace $0x90000049  }
0xb9: {  	s29 =	simm.s32 $0x9;
	_ =	strace $0x8000004B  }
0xba: {  	_ =	swait.ge [sflag:s29], $0x1  }
0xbb: {  	[sflag:s29] =	ssyncadd.s32 $0xFFFFFFFF  }
0xbc: {  	_ =	strace $0x9000004B  }
0xbd: {  	_ =	sfence  }
0xbe: {  	s30 =	sld [smem:$0x0];
	_ =	sdelay $0x2  }
0xbf: {  	s31 =	sshll.u32 s1, $0xD;
	s1 =	sshrl.u32 s1, $0x2  }
0xc0: {  	s3 =	sand.u32 $0x4000, s31;
	s1 =	sadd.s32 s1, s30  }
0xc1: {  	s0 =	sor.u32 s3, s0;
	s1 =	sshll.u32 s1, $0x11  }
0xc2: {  	s0 =	sor.u32 s1, s0  }
0xc3: {  	s0 =	sadd.s32 $0x8F2B, s0  }
0xc4: {  	[sflag:s0] =	ssyncadd.remote.s32 $0x1  }
0xc5: {  	_ =	sfence.sel $0xFFFF  }
0xc6: {  	[dreg:$0x0] =	wrdreg $0xFFFFFFFF;
	(pc) =	sbr.abs _section_cstart, $3  }
0xc7: {  	[dreg:$0x1] =	wrdreg $0xFFFFFFFF  }
0xc8: {  	_ =	task.clear_ibuf [dreg:s9], $0x2FFFF;
	_ =	strace $0x9FFFFFFF  }
0xc9: {  	(tm) =	ssettm $0x7FFFFFFF  }
tec
execute0_lowered:
.L_overlay_start_1:
0x0: {  	(tag) =	ssettag $0x1  }
0x1: {  	s2 =	rddreg [dreg:$0x0]  }
0x2: {  	s18 =	rddreg [dreg:$0x1]  }
0x3: {  	s10 =	rddreg [dreg:$0x2];
	s3 =	srdreg.scid  }
0x4: {  	s0 =	rddreg [dreg:$0x3];
	s1 =	stileid.u32;
	s21 =	sand.u32 $0x1, s3  }
0x5: {  	s3 =	simm.s32 $0x0;
	s4 =	sshll.u32 s1, $0x7;
	s5 =	sshll.u32 s21, $0x6  }
0x6: {  	[smem:$0x7FF] =	sst s3;
	s19 =	sor.u32 s5, s4  }
0x7: {  	_ =	strace $0x8000004A;
	s5 =	simm.s32 $0x1;
	s4 =	sadd.s32 s18, s19  }
0x8: {  	[tilespmem:s3], [sflag:$0x1] =	stream.linear.gather [hbm4b:s4+s3], $0x80, $0x38;
	[tilespmem:$0x8100] =	vst v63  }
0x9: {  	_ =	swait.ge [sflag:s5], $0x80  }
0xa: {  	s6 =	simm.s32 $0x80;
	[sflag:s5] =	ssyncset.done $0x0  }
0xb: {  	s7 =	simm.s32 $0x100;
	s16 =	sor.u32 $0x10, s19;
	[sflag:s5] =	ssyncadd.s32 $0xFFFFFF80  }
0xc: {  	[tilespmem:s7], [sflag:$0x3] =	stream.indirect.gather [hbm4b:s2+s6], $0x80, s3, s6, $0xb8;
	[tilespmem:$0x8100] =	vst v63  }
0xd: {  	s9 =	simm.s32 $0x3;
	s8 =	sadd.s32 s18, s16  }
0xe: {  	[tilespmem:s6], [sflag:$0x2] =	stream.linear.gather [hbm4b:s8+s3], $0x80, $0x38;
	[tilespmem:$0x8100] =	vst v63  }
0xf: {  	s12 =	simm.s32 $0xC00;
	s11 =	smul.u32 $0x180, s19;
	_ =	swait.ge [sflag:s9], $0x4000  }
0x10: {  	s13 =	simm.s32 $0x2;
	s22 =	sadd.s32 $0x80, s10;
	[sflag:s9] =	ssyncset.done $0x0  }
0x11: {  	s10 =	sadd.s32 s11, s22;
	s11 =	simm.s32 $0x400;
	[sflag:s9] =	ssyncadd.s32 $0xFFFFC000  }
0x12: {  	[hbm4b:s10+s11] =	stream.strided.scatter [tilespmem:s7], [sflag:$0x4], $0x4000, s12, s11, $0x38;
	[tilespmem:$0x8100] =	vst v63  }
0x13: {  	_ =	swait.ge [sflag:s13], $0x80  }
0x14: {  	[sflag:s13] =	ssyncset.done $0x0  }
0x15: {  	s14 =	simm.s32 $0x4100;
	s20 =	sor.u32 $0x20, s19;
	[sflag:s13] =	ssyncadd.s32 $0xFFFFFF80  }
0x16: {  	[tilespmem:s14], [sflag:$0x3] =	stream.indirect.gather [hbm4b:s2+s6], $0x80, s6, s6, $0xb8;
	[tilespmem:$0x8100] =	vst v63  }
0x17: {  	s15 =	sadd.s32 s18, s20  }
0x18: {  	[tilespmem:s3], [sflag:$0x1] =	stream.linear.gather [hbm4b:s15+s3], $0x80, $0x38;
	[tilespmem:$0x8100] =	vst v63  }
0x19: {  	s16 =	smul.u32 $0x180, s16;
	_ =	swait.ge [sflag:s9], $0x4000  }
0x1a: {  	[sflag:s9] =	ssyncset.done $0x0  }
0x1b: {  	s16 =	sadd.s32 s16, s22;
	[sflag:s9] =	ssyncadd.s32 $0xFFFFC000  }
0x1c: {  	[hbm4b:s16+s11] =	stream.strided.scatter [tilespmem:s14], [sflag:$0x5], $0x4000, s12, s11, $0x38;
	[tilespmem:$0x8100] =	vst v63  }
0x1d: {  	_ =	swait.ge [sflag:s5], $0x80  }
0x1e: {  	[sflag:s5] =	ssyncset.done $0x0  }
0x1f: {  	s17 =	simm.s32 $0x4;
	[sflag:s5] =	ssyncadd.s32 $0xFFFFFF80  }
0x20: {  	_ =	swait.ge [sflag:s17], $0x4000  }
0x21: {  	[sflag:s17] =	ssyncset.done $0x0  }
0x22: {  	s23 =	sor.u32 $0x30, s19;
	[sflag:s17] =	ssyncadd.s32 $0xFFFFC000  }
0x23: {  	[tilespmem:s7], [sflag:$0x3] =	stream.indirect.gather [hbm4b:s2+s6], $0x80, s3, s6, $0xb8;
	[tilespmem:$0x8100] =	vst v63  }
0x24: {  	s18 =	sadd.s32 s18, s23  }
0x25: {  	[tilespmem:s6], [sflag:$0x2] =	stream.linear.gather [hbm4b:s18+s3], $0x80, $0x38;
	[tilespmem:$0x8100] =	vst v63  }
0x26: {  	s30 =	smul.u32 $0x180, s20;
	_ =	swait.ge [sflag:s9], $0x4000  }
0x27: {  	[sflag:s9] =	ssyncset.done $0x0  }
0x28: {  	s19 =	sadd.s32 s30, s22;
	[sflag:s9] =	ssyncadd.s32 $0xFFFFC000  }
0x29: {  	[hbm4b:s19+s11] =	stream.strided.scatter [tilespmem:s7], [sflag:$0x4], $0x4000, s12, s11, $0x38;
	[tilespmem:$0x8100] =	vst v63  }
0x2a: {  	_ =	swait.ge [sflag:s13], $0x80  }
0x2b: {  	[sflag:s13] =	ssyncset.done $0x0  }
0x2c: {  	s20 =	simm.s32 $0x5;
	[sflag:s13] =	ssyncadd.s32 $0xFFFFFF80  }
0x2d: {  	_ =	swait.ge [sflag:s20], $0x4000  }
0x2e: {  	s24 =	ssub.s32 $0x2, s21;
	[sflag:s20] =	ssyncset.done $0x0  }
0x2f: {  	s31 =	sshrl.u32 s24, $0x1;
	s23 =	smul.u32 $0x180, s23;
	[sflag:s20] =	ssyncadd.s32 $0xFFFFC000  }
0x30: {  	[tilespmem:s14], [sflag:$0x3] =	stream.indirect.gather [hbm4b:s2+s6], $0x80, s6, s6, $0xb8;
	[tilespmem:$0x8100] =	vst v63  }
0x31: {  	s21 =	sadd.s32 s23, s22;
	s22 =	ssub.s32 s24, s31;
	_ =	swait.ge [sflag:s9], $0x4000  }
0x32: {  	s22 =	smax.u32 s22, $0x1;
	[sflag:s9] =	ssyncset.done $0x0  }
0x33: {  	p0 =	sne.s32 s22, $0x1;
	[sflag:s9] =	ssyncadd.s32 $0xFFFFC000  }
0x34: {  	[hbm4b:s21+s11] =	stream.strided.scatter [tilespmem:s14], [sflag:$0x5], $0x4000, s12, s11, $0x38;
	[tilespmem:$0x8100] =	vst v63  }
.Ltmp0:
0x35: {  	_ =	swait.ge [sflag:s17], $0x4000;
	(pc) =	sbr.rel @!p0 .LBB2_2-.Ltmp0, $4  }
0x36: {  	[sflag:s17] =	ssyncset.done $0x0  }
0x37: {  	[sflag:s17] =	ssyncadd.s32 $0xFFFFC000  }
0x38: {  	_ =	swait.ge [sflag:s20], $0x4000  }
0x39: {  	s22 =	sadd.s32 $0xFFFFFFFF, s22;
	[sflag:s20] =	ssyncset.done $0x0  }
.LBB2_1:
0x3a: {  	p0 =	sne.s32 s22, $0x1;
	s22 =	sadd.s32 $0xFFFFFFFF, s22;
	[sflag:s20] =	ssyncadd.s32 $0xFFFFC000  }
0x3b: {  	[tilespmem:s3], [sflag:$0x1] =	stream.linear.gather [hbm4b:s4+s3], $0x80, $0x38;
	[tilespmem:$0x8100] =	vst v63  }
0x3c: {  	_ =	swait.ge [sflag:s5], $0x80  }
0x3d: {  	[sflag:s5] =	ssyncset.done $0x0  }
0x3e: {  	[sflag:s5] =	ssyncadd.s32 $0xFFFFFF80  }
0x3f: {  	[tilespmem:s7], [sflag:$0x3] =	stream.indirect.gather [hbm4b:s2+s6], $0x80, s3, s6, $0xb8;
	[tilespmem:$0x8100] =	vst v63  }
0x40: {  	_ = 	snop  }
0x41: {  	[tilespmem:s6], [sflag:$0x2] =	stream.linear.gather [hbm4b:s8+s3], $0x80, $0x38;
	[tilespmem:$0x8100] =	vst v63  }
0x42: {  	_ =	swait.ge [sflag:s9], $0x4000  }
0x43: {  	[sflag:s9] =	ssyncset.done $0x0  }
0x44: {  	[sflag:s9] =	ssyncadd.s32 $0xFFFFC000  }
0x45: {  	[hbm4b:s10+s11] =	stream.strided.scatter [tilespmem:s7], [sflag:$0x4], $0x4000, s12, s11, $0x38;
	[tilespmem:$0x8100] =	vst v63  }
0x46: {  	_ =	swait.ge [sflag:s13], $0x80  }
0x47: {  	[sflag:s13] =	ssyncset.done $0x0  }
0x48: {  	[sflag:s13] =	ssyncadd.s32 $0xFFFFFF80  }
0x49: {  	[tilespmem:s14], [sflag:$0x3] =	stream.indirect.gather [hbm4b:s2+s6], $0x80, s6, s6, $0xb8;
	[tilespmem:$0x8100] =	vst v63  }
0x4a: {  	_ = 	snop  }
0x4b: {  	[tilespmem:s3], [sflag:$0x1] =	stream.linear.gather [hbm4b:s15+s3], $0x80, $0x38;
	[tilespmem:$0x8100] =	vst v63  }
0x4c: {  	_ =	swait.ge [sflag:s9], $0x4000  }
0x4d: {  	[sflag:s9] =	ssyncset.done $0x0  }
0x4e: {  	[sflag:s9] =	ssyncadd.s32 $0xFFFFC000  }
0x4f: {  	[hbm4b:s16+s11] =	stream.strided.scatter [tilespmem:s14], [sflag:$0x5], $0x4000, s12, s11, $0x38;
	[tilespmem:$0x8100] =	vst v63  }
0x50: {  	_ =	swait.ge [sflag:s5], $0x80  }
0x51: {  	[sflag:s5] =	ssyncset.done $0x0  }
0x52: {  	[sflag:s5] =	ssyncadd.s32 $0xFFFFFF80  }
0x53: {  	_ =	swait.ge [sflag:s17], $0x4000  }
0x54: {  	[sflag:s17] =	ssyncset.done $0x0  }
0x55: {  	[sflag:s17] =	ssyncadd.s32 $0xFFFFC000  }
0x56: {  	[tilespmem:s7], [sflag:$0x3] =	stream.indirect.gather [hbm4b:s2+s6], $0x80, s3, s6, $0xb8;
	[tilespmem:$0x8100] =	vst v63  }
0x57: {  	_ = 	snop  }
0x58: {  	[tilespmem:s6], [sflag:$0x2] =	stream.linear.gather [hbm4b:s18+s3], $0x80, $0x38;
	[tilespmem:$0x8100] =	vst v63  }
0x59: {  	_ =	swait.ge [sflag:s9], $0x4000  }
0x5a: {  	[sflag:s9] =	ssyncset.done $0x0  }
0x5b: {  	[sflag:s9] =	ssyncadd.s32 $0xFFFFC000  }
0x5c: {  	[hbm4b:s19+s11] =	stream.strided.scatter [tilespmem:s7], [sflag:$0x4], $0x4000, s12, s11, $0x38;
	[tilespmem:$0x8100] =	vst v63  }
0x5d: {  	_ =	swait.ge [sflag:s13], $0x80  }
0x5e: {  	[sflag:s13] =	ssyncset.done $0x0  }
0x5f: {  	[sflag:s13] =	ssyncadd.s32 $0xFFFFFF80  }
0x60: {  	_ =	swait.ge [sflag:s20], $0x4000  }
0x61: {  	[sflag:s20] =	ssyncset.done $0x0  }
0x62: {  	[sflag:s20] =	ssyncadd.s32 $0xFFFFC000  }
0x63: {  	[tilespmem:s14], [sflag:$0x3] =	stream.indirect.gather [hbm4b:s2+s6], $0x80, s6, s6, $0xb8;
	[tilespmem:$0x8100] =	vst v63  }
0x64: {  	_ =	swait.ge [sflag:s9], $0x4000  }
0x65: {  	[sflag:s9] =	ssyncset.done $0x0  }
0x66: {  	[sflag:s9] =	ssyncadd.s32 $0xFFFFC000  }
0x67: {  	[hbm4b:s21+s11] =	stream.strided.scatter [tilespmem:s14], [sflag:$0x5], $0x4000, s12, s11, $0x38;
	[tilespmem:$0x8100] =	vst v63  }
.Ltmp1:
0x68: {  	_ =	swait.ge [sflag:s17], $0x4000;
	(pc) =	sbr.rel @p0 .LBB2_1-.Ltmp1, $4  }
0x69: {  	[sflag:s17] =	ssyncset.done $0x0  }
0x6a: {  	[sflag:s17] =	ssyncadd.s32 $0xFFFFC000  }
0x6b: {  	_ =	swait.ge [sflag:s20], $0x4000  }
0x6c: {  	[sflag:s20] =	ssyncset.done $0x0  }
.LBB2_2:
0x6d: {  	[sflag:s20] =	ssyncadd.s32 $0xFFFFC000  }
0x6e: {  	_ =	sfence.sel $0x180000  }
0x6f: {  	[bflag:$0x0] =	sbarrier.arrive $0xFFFF  }
0x70: {  	p0 =	sne.s32 s1, $0x0;
	_ =	strace $0x9000004A  }
0x71: {  	s0 =	sadd.s32 @!p0 $0x100000, s0;
	[bflag:$0x2] =	sbarrier.arrive $0xFFFF  }
0x72: {  	[sflag:s0] =	ssyncadd.tile.s32 @!p0 $0x1;
	_ =	shalt  }
.Lfunc_end2:
_tile_overlayer_lowered:
.L_overlay_start_2:
0x73: {  	(tag) =	ssettag $0x2  }
0x74: {  	s0 =	rddreg [dreg:$0x0];
	s2 =	stileid.u32  }
0x75: {  	s1 =	rddreg [dreg:$0x1];
	p0 =	sne.s32 s2, $0x0  }
0x76: {  	s3 =	rddreg [dreg:$0x2];
	[bflag:$0x3] =	sbarrier.arrive $0xFFFF;
	s2 =	simm.s32 @!p0 $0x1C06  }
0x77: {  	[timem:s3], [sflag:s2] =	dma.local @!p0 [hbm:s0], s1  }
0x78: {  	s0 =	simm.s32 @!p0 $0x6  }
0x79: {  	_ =	swait.ge @!p0 [sflag:s0], s1  }
0x7a: {  	s1 =	ssub.s32 @!p0 $0x0, s1;
	[sflag:s0] =	ssyncset.done @!p0 $0x0  }
0x7b: {  	[sflag:s0] =	ssyncadd.s32 @!p0 s1  }
0x7c: {  	[bflag:$0x3] =	sbarrier.arrive $0xFFFF  }
0x7d: {  	_ =	shalt  }

// kernel: kernel.7.cloned.1.call-start
scs
__scs_entry_jumppad:
0x0: {  	(pc) =	sbr.rel $0x88, $3  }
0x1: {  	(tag) =	ssettag $0x0;
	lr =	simm.s32 $0x1  }
0x2: {  	[smem:$0x3F98] =	sst lr;
	_ =	strace $0xD0000000  }
0x3: {  	_ = 	snop  }
0x4: {  	_ = 	snop  }
0x5: {  	_ = 	snop  }
0x6: {  	_ = 	snop  }
0x7: {  	_ = 	snop  }
__scs_overlays_trampoline_lowered:
0x8: {  	[smem:$0x3FA7] =	sst s0  }
0x9: {  	[smem:$0x3FA8] =	sst s1  }
0xa: {  	[smem:$0x3FA9] =	sst s2  }
0xb: {  	[smem:$0x3FAA] =	sst s3  }
0xc: {  	[smem:$0x3FAB] =	sst s4  }
0xd: {  	[smem:$0x3FAC] =	sst s5  }
0xe: {  	[smem:$0x3FAD] =	sst s6  }
0xf: {  	[smem:$0x3FAE] =	sst s7  }
0x10: {  	[smem:$0x3FAF] =	sst s8  }
0x11: {  	[smem:$0x3FB0] =	sst s9;
	s0 =	simm.s32 @!p0 $0x0  }
0x12: {  	s1 =	sld [smem:$0x3F96];
	s0 =	simm.s32 @p0 $0x1  }
0x13: {  	[smem:$0x3FB1] =	sst s0;
	s0 =	simm.s32 @!p1 $0x0  }
0x14: {  	s2 =	sld [smem:$0x3F95];
	s0 =	simm.s32 @p1 $0x1  }
0x15: {  	[smem:$0x3FB2] =	sst s0;
	s0 =	simm.s32 @!p2 $0x0  }
0x16: {  	s3 =	sld [smem:$0x3FDB];
	s0 =	simm.s32 @p2 $0x1  }
0x17: {  	s4 =	simm.s32 $0x1BF5;
	[smem:$0x3FB4] =	sst s0  }
0x18: {  	s0 =	sld [smem:$0x3F97];
	_ =	swait.ge [sflag:s4], $0x0  }
0x19: {  	s7 =	sld [smem:$0x3F98]  }
0x1a: {  	s8 =	sadd.s32 $0xFFFFE003, lr  }
0x1b: {  	s9 =	sadd.s32 $0xFFFFFEF7, lr;
	s5 =	simm.s32 $0xFFFFFFFF;
	p2 =	slt.u32 s8, $0xFFFFF086  }
0x1c: {  	p1 =	slt.u32 s9, $0xF7A;
	s5 =	simm.s32 @!p2 $0x0  }
0x1d: {  	s5 =	simm.s32 @p1 $0x1;
	p0 =	seq.s32 s7, s2  }
0x1e: {  	s7 =	smul.u32 @!p0 $0xF7A, s2;
	p2 =	seq.s32 @!p0 s5, $0x0  }
0x1f: {  	s9 =	smul.u32 $0xF7A, s1;
	s8 =	simm.s32 @!p0 $0x1BF5;
	p2 =	por !p2, p0  }
0x20: {  	[sflag:s8] =	ssyncset.s32 @!p0 $0xFFFFF086;
	s6 =	sadd.s32 @!p0 s3, s7;
	s7 =	simm.s32 @!p0 $0x108  }
0x21: {  	s3 =	sadd.s32 s3, s9;
	s6 =	sadd.s32 @!p0 $0x88, s6;
	s7 =	simm.s32 @p2 $0x1082  }
0x22: {  	[simem:s7], [sflag:s8] =	dma.local @!p0 [hbm:s6], $0xF7A  }
0x23: {  	s9 =	sor.u32 $0xD0000000, s2;
	s6 =	simm.s32 $0x108;
	_ =	swait.ge @!p0 [sflag:s8], $0x0  }
0x24: {  	s3 =	sadd.s32 $0x88, s3;
	s6 =	simm.s32 @!p1 $0x1082;
	[sflag:s4] =	ssyncset.s32 $0xFFFFF086  }
0x25: {  	[simem:s6], [sflag:s4] =	dma.local [hbm:s3], $0xF7A  }
0x26: {  	[smem:$0x3F98] =	sst s1;
	(tag) =	ssettag s2;
	_ =	strace s9  }
0x27: {  	s1 =	sld [smem:$0x3FA8]  }
0x28: {  	s2 =	sld [smem:$0x3FA9]  }
0x29: {  	s4 =	sld [smem:$0x3FAB]  }
0x2a: {  	p0 =	seq.s32 s5, $0x0;
	s5 =	sld [smem:$0x3FAC]  }
0x2b: {  	s6 =	sld [smem:$0x3FAD]  }
0x2c: {  	s7 =	sld [smem:$0x3FAE]  }
0x2d: {  	s3 =	simm.s32 $0x108;
	s8 =	sld [smem:$0x3FAF]  }
0x2e: {  	s3 =	simm.s32 @!p0 $0x1082;
	s9 =	sld [smem:$0x3FB0]  }
0x2f: {  	lr =	sadd.s32 s0, s3;
	s0 =	sld [smem:$0x3FA7]  }
0x30: {  	s3 =	sld [smem:$0x3FAA]  }
0x31: {  	[smem:$0x3FB3] =	sst s10  }
0x32: {  	s10 =	sld [smem:$0x3FB1];
	_ =	sdelay $0x3  }
0x33: {  	p0 =	seq.s32 s10, $0x1;
	s10 =	sld [smem:$0x3FB3];
	_ =	sdelay $0x3  }
0x34: {  	[smem:$0x3FB3] =	sst s10  }
0x35: {  	s10 =	sld [smem:$0x3FB2];
	_ =	sdelay $0x3  }
0x36: {  	p1 =	seq.s32 s10, $0x1;
	s10 =	sld [smem:$0x3FB3];
	_ =	sdelay $0x3  }
0x37: {  	[smem:$0x3FB3] =	sst s10  }
0x38: {  	s10 =	sld [smem:$0x3FB4]  }
0x39: {  	_ = 	snop;
	(pc) =	sbr.ind lr, $3  }
0x3a: {  	_ = 	snop  }
0x3b: {  	_ = 	snop  }
0x3c: {  	p2 =	seq.s32 s10, $0x1;
	s10 =	sld [smem:$0x3FB3]  }
0x3d: {  	_ =	shalt  }
0x3e: {  	_ =	shalt  }
0x3f: {  	_ =	shalt  }
0x40: {  	_ =	shalt  }
0x41: {  	_ =	shalt  }
0x42: {  	_ =	shalt  }
0x43: {  	_ =	shalt  }
0x44: {  	_ =	shalt  }
0x45: {  	_ =	shalt  }
0x46: {  	_ =	shalt  }
0x47: {  	_ =	shalt  }
0x48: {  	_ =	shalt  }
0x49: {  	_ =	shalt  }
0x4a: {  	_ =	shalt  }
0x4b: {  	_ =	shalt  }
0x4c: {  	_ =	shalt  }
0x4d: {  	_ =	shalt  }
0x4e: {  	_ =	shalt  }
0x4f: {  	_ =	shalt  }
0x50: {  	_ =	shalt  }
0x51: {  	_ =	shalt  }
0x52: {  	_ =	shalt  }
0x53: {  	_ =	shalt  }
0x54: {  	_ =	shalt  }
0x55: {  	_ =	shalt  }
0x56: {  	_ =	shalt  }
0x57: {  	_ =	shalt  }
0x58: {  	_ =	shalt  }
0x59: {  	_ =	shalt  }
0x5a: {  	_ =	shalt  }
0x5b: {  	_ =	shalt  }
0x5c: {  	_ =	shalt  }
0x5d: {  	_ =	shalt  }
0x5e: {  	_ =	shalt  }
0x5f: {  	_ =	shalt  }
0x60: {  	_ =	shalt  }
0x61: {  	_ =	shalt  }
0x62: {  	_ =	shalt  }
0x63: {  	_ =	shalt  }
0x64: {  	_ =	shalt  }
0x65: {  	_ =	shalt  }
0x66: {  	_ =	shalt  }
0x67: {  	_ =	shalt  }
0x68: {  	_ =	shalt  }
0x69: {  	_ =	shalt  }
0x6a: {  	_ =	shalt  }
0x6b: {  	_ =	shalt  }
0x6c: {  	_ =	shalt  }
0x6d: {  	_ =	shalt  }
0x6e: {  	_ =	shalt  }
0x6f: {  	_ =	shalt  }
0x70: {  	_ =	shalt  }
0x71: {  	_ =	shalt  }
0x72: {  	_ =	shalt  }
0x73: {  	_ =	shalt  }
0x74: {  	_ =	shalt  }
0x75: {  	_ =	shalt  }
0x76: {  	_ =	shalt  }
0x77: {  	_ =	shalt  }
0x78: {  	_ =	shalt  }
0x79: {  	_ =	shalt  }
0x7a: {  	_ =	shalt  }
0x7b: {  	_ =	shalt  }
0x7c: {  	_ =	shalt  }
0x7d: {  	_ =	shalt  }
0x7e: {  	_ =	shalt  }
0x7f: {  	_ =	shalt  }
0x80: {  	_ =	shalt  }
0x81: {  	_ =	shalt  }
0x82: {  	_ =	shalt  }
0x83: {  	_ =	shalt  }
0x84: {  	_ =	shalt  }
0x85: {  	_ =	shalt  }
0x86: {  	_ =	shalt  }
0x87: {  	_ =	shalt  }
.Lfunc_end0:
.L_simem_size_0:
called_computation_lowered:
.L_overlay_start_0:
0x88: {  	s2 =	sld [smem:$0x3FD9]  }
0x89: {  	s3 =	sld [smem:$0x3FFE];
	_ =	sdelay $0x1  }
0x8a: {  	s1 =	srdreg.scid  }
0x8b: {  	s0 =	sand.u32 $0x1, s1  }
0x8c: {  	s15 =	sshll.u32 s0, $0xA;
	s2 =	sadd.s32 s3, s2  }
0x8d: {  	s2 =	sadd.s32 s2, s15  }
0x8e: {  	[smem:$0x3FBF] =	sst s2  }
0x8f: {  	_ = 	snop  }
0x90: {  	s2 =	sld [smem:$0x3FD0]  }
0x91: {  	s16 =	sld [smem:$0x3FC5]  }
0x92: {  	s4 =	sld [smem:$0x3FC3]  }
0x93: {  	s6 =	simm.s32 $0xA;
	s7 =	simm.s32 $0x10;
	s5 =	sld [smem:$0x3FC2]  }
0x94: {  	[smem:s7], [sflag:s6] =	dma.local [hbm:s2], $0x1  }
0x95: {  	_ =	swait.eq [sflag:s6], $0x1  }
0x96: {  	s17 =	sld [smem:$0x11];
	[sflag:s6] =	ssyncset.done $0x0  }
0x97: {  	s18 =	sld [smem:$0x12];
	[sflag:s6] =	ssyncadd.s32 $0xFFFFFFFF  }
0x98: {  	s19 =	sld [smem:$0x13];
	(tm) =	ssettm $0x1  }
0x99: {  	s8 =	sld [smem:$0x3FFB];
	_ =	sdelay $0x3  }
0x9a: {  	_ =	strace s8  }
0x9b: {  	s8 =	sld [smem:$0x3FFC];
	_ =	sdelay $0x3  }
0x9c: {  	_ =	strace s8  }
0x9d: {  	s8 =	sld [smem:$0x3FFD];
	_ =	sdelay $0x3  }
0x9e: {  	_ =	strace s8  }
0x9f: {  	_ =	strace $0x8FFFFFFF  }
0xa0: {  	s20 =	sld [smem:$0x3FDB];
	_ =	sdelay $0x1  }
0xa1: {  	s9 =	simm.s32 $_scs_section_size  }
0xa2: {  	s10 =	simm.s32 $_size__tile_overlayer_lowered;
	s11 =	simm.s32 $_tile_overlayer_lowered  }
0xa3: {  	s23 =	simm.s32 $0x1BFF;
	s22 =	sshll.u32 s11, $0x1;
	s8 =	sadd.s32 s9, s20  }
0xa4: {  	s12 =	simm.s32 $0x0;
	s21 =	sshll.u32 s10, $0x1;
	s10 =	sadd.s32 s22, s8  }
0xa5: {  	[timem:s12], [sflag:s23] =	dma.local [hbm:s10], s21  }
0xa6: {  	_ =	swait.ge [sflag:s23], s21  }
0xa7: {  	s9 =	ssub.s32 $0x0, s21;
	[sflag:s23] =	ssyncset.done $0x0  }
0xa8: {  	[sflag:s23] =	ssyncadd.s32 s9;
	_ =	sdelay $0x1  }
0xa9: {  	s24 =	simm.s32 $0x1B8B  }
0xaa: {  	_ =	swait.ge [sflag:s24], $0x1  }
0xab: {  	[sflag:s24] =	ssyncset.done $0x0  }
0xac: {  	s25 =	simm.s32 $0x1B8E;
	[sflag:s24] =	ssyncadd.s32 $0xFFFFFFFF  }
0xad: {  	s26 =	simm.s32 $execute0_lowered;
	[smem:$0x3FD2] =	sst s25  }
0xae: {  	s9 =	sshll.u32 s26, $0x1;
	_ =	strace $0x80000046;
	[dreg:$0x1] =	wrdreg $0xFFFFFFFF  }
0xaf: {  	s28 =	simm.s32 $_size_execute0_lowered;
	s8 =	sadd.s32 s8, s9;
	[dreg:$0x0] =	wrdreg $0x0  }
0xb0: {  	s9 =	sshll.u32 s28, $0x1;
	[dreg:$0x2] =	wrdreg s8  }
0xb1: {  	[dreg:$0x3] =	wrdreg s9  }
0xb2: {  	[dreg:$0x4] =	wrdreg $0xC0  }
0xb3: {  	_ =	task [dreg:s12], $0x5FFFF  }
0xb4: {  	[dreg:$0x1] =	wrdreg $0xFFFFFFFF  }
0xb5: {  	[dreg:$0x0] =	wrdreg $0x60  }
0xb6: {  	[dreg:$0x2] =	wrdreg s17  }
0xb7: {  	[dreg:$0x3] =	wrdreg s16  }
0xb8: {  	[dreg:$0x4] =	wrdreg s5  }
0xb9: {  	[dreg:$0x5] =	wrdreg s4  }
0xba: {  	[dreg:$0x6] =	wrdreg s18  }
0xbb: {  	[dreg:$0x7] =	wrdreg s19  }
0xbc: {  	[dreg:$0x8] =	wrdreg $0x9  }
0xbd: {  	_ =	task.clear_ibuf [dreg:s12], $0x9FFFF;
	_ =	strace $0x90000046  }
0xbe: {  	s29 =	simm.s32 $0x9;
	_ =	strace $0x80000048  }
0xbf: {  	_ =	swait.ge [sflag:s29], $0x1  }
0xc0: {  	[sflag:s29] =	ssyncadd.s32 $0xFFFFFFFF  }
0xc1: {  	_ =	strace $0x90000048  }
0xc2: {  	_ =	sfence  }
0xc3: {  	s30 =	sld [smem:$0x0];
	_ =	sdelay $0x2  }
0xc4: {  	s31 =	sshll.u32 s1, $0xD;
	s1 =	sshrl.u32 s1, $0x2  }
0xc5: {  	s3 =	sand.u32 $0x4000, s31;
	s1 =	sadd.s32 s1, s30  }
0xc6: {  	s0 =	sor.u32 s3, s0;
	s1 =	sshll.u32 s1, $0x11  }
0xc7: {  	s0 =	sor.u32 s1, s0  }
0xc8: {  	s0 =	sadd.s32 $0x8F2B, s0  }
0xc9: {  	[sflag:s0] =	ssyncadd.remote.s32 $0x1  }
0xca: {  	_ =	sfence.sel $0xFFFF  }
0xcb: {  	[dreg:$0x0] =	wrdreg $0xFFFFFFFF;
	(pc) =	sbr.abs _section_cstart, $3  }
0xcc: {  	[dreg:$0x1] =	wrdreg $0xFFFFFFFF  }
0xcd: {  	_ =	task.clear_ibuf [dreg:s12], $0x2FFFF;
	_ =	strace $0x9FFFFFFF  }
0xce: {  	(tm) =	ssettm $0x7FFFFFFF  }
0xcf: {  	_ =	shalt  }
tec
execute0_lowered:
.L_overlay_start_1:
0x0: {  	(tag) =	ssettag $0x1  }
0x1: {  	s0 =	rddreg [dreg:$0x0]  }
0x2: {  	s10 =	rddreg [dreg:$0x1]  }
0x3: {  	s9 =	rddreg [dreg:$0x2]  }
0x4: {  	s5 =	rddreg [dreg:$0x3]  }
0x5: {  	s2 =	srdreg.scid;
	s4 =	rddreg [dreg:$0x4]  }
0x6: {  	s1 =	stileid.u32;
	s11 =	rddreg [dreg:$0x5]  }
0x7: {  	s15 =	simm.s32 $0x4100;
	s16 =	simm.s32 $0x400;
	s17 =	simm.s32 $0xC00  }
0x8: {  	s18 =	simm.s32 $0x2;
	s19 =	simm.s32 $0x0;
	s8 =	sand.u32 $0x1, s2  }
0x9: {  	s30 =	sshll.u32 s1, $0xA;
	s2 =	rddreg [dreg:$0x6];
	s31 =	sshll.u32 s1, $0xE  }
0xa: {  	s3 =	sshll.u32 s8, $0x9;
	s7 =	ssub.s32 $0x2, s8;
	s11 =	sadd.s32 s31, s11  }
0xb: {  	s8 =	sshll.u32 s8, $0xD;
	s6 =	sor.u32 s3, s30;
	s3 =	simm.s32 $0x0  }
0xc: {  	s14 =	sshrl.u32 s7, $0x1;
	s8 =	sadd.s32 s8, s11;
	s11 =	simm.s32 $0x8100  }
0xd: {  	s12 =	sshrl.u32 s6, $0x3;
	[smem:$0x7FF] =	sst s3;
	s7 =	ssub.s32 s7, s14  }
0xe: {  	s6 =	sshll.u32 s6, $0x4;
	s14 =	simm.s32 $0x100;
	s13 =	smul.u32 $0x180, s12  }
0xf: {  	_ =	strace $0x80000047;
	s5 =	sadd.s32 s5, s6;
	s7 =	smax.u32 s7, $0x1  }
0x10: {  	s9 =	sadd.s32 s12, s9;
	s10 =	sadd.s32 s12, s10;
	s4 =	sadd.s32 s13, s4  }
0x11: {  	s12 =	simm.s32 $0x80;
	s13 =	simm.s32 $0x1;
	s6 =	sadd.s32 $0x100, s4  }
.LBB2_1:
0x12: {  	[tilespmem:s11], [sflag:$0x2] =	stream.linear.gather [hbm4b:s5+s3], $0x10000, $0x38;
	[tilespmem:$0x18100] =	vst v63  }
0x13: {  	s20 =	sadd.s32 $0x0, s10  }
0x14: {  	[tilespmem:s3], [sflag:$0x1] =	stream.linear.gather [hbm4b:s20+s3], $0x80, $0x38;
	[tilespmem:$0x18100] =	vst v63  }
0x15: {  	s31 =	sadd.s32 $0x0, s9  }
0x16: {  	[tilespmem:s12], [sflag:$0x1] =	stream.linear.gather [hbm4b:s31+s3], $0x80, $0x38;
	[tilespmem:$0x18100] =	vst v63  }
0x17: {  	_ =	swait.ge [sflag:s13], $0x80  }
0x18: {  	[sflag:s13] =	ssyncset.done $0x0  }
0x19: {  	[sflag:s13] =	ssyncadd.s32 $0xFFFFFF80  }
0x1a: {  	_ =	swait.ge [sflag:s13], $0x80  }
0x1b: {  	[sflag:s13] =	ssyncset.done $0x0  }
0x1c: {  	[sflag:s13] =	ssyncadd.s32 $0xFFFFFF80  }
0x1d: {  	[tilespmem:s14], [sflag:$0x1] =	stream.indirect.gather [hbm4b:s0+s12], $0x80, s3, s12, $0xb8;
	[tilespmem:$0x18100] =	vst v63  }
0x1e: {  	_ = 	snop  }
0x1f: {  	[tilespmem:s15], [sflag:$0x1] =	stream.indirect.gather [hbm4b:s0+s12], $0x80, s12, s12, $0xb8;
	[tilespmem:$0x18100] =	vst v63  }
0x20: {  	_ =	swait.ge [sflag:s13], $0x4000  }
0x21: {  	[sflag:s13] =	ssyncset.done $0x0  }
0x22: {  	[sflag:s13] =	ssyncadd.s32 $0xFFFFC000  }
0x23: {  	_ =	swait.ge [sflag:s13], $0x4000  }
0x24: {  	[sflag:s13] =	ssyncset.done $0x0  }
0x25: {  	[sflag:s13] =	ssyncadd.s32 $0xFFFFC000  }
0x26: {  	[hbm4b:s4+s16] =	stream.strided.scatter [tilespmem:s14], [sflag:$0x1], $0x4000, s17, s16, $0x38;
	[tilespmem:$0x18100] =	vst v63  }
0x27: {  	_ = 	snop  }
0x28: {  	[hbm4b:s8+s3] =	stream.linear.scatter [tilespmem:s15], [sflag:$0x1], $0x4000, $0x38;
	[tilespmem:$0x18100] =	vst v63  }
0x29: {  	_ =	swait.ge [sflag:s13], $0x4000  }
0x2a: {  	[sflag:s13] =	ssyncset.done $0x0  }
0x2b: {  	[sflag:s13] =	ssyncadd.s32 $0xFFFFC000  }
0x2c: {  	s22 =	simm.s32 $0x10;
	s23 =	simm.s32 $0x20;
	_ =	swait.ge [sflag:s13], $0x4000  }
0x2d: {  	s21 =	sadd.s32 $0x1800, s4;
	s20 =	sadd.s32 $0x800, s8;
	[sflag:s13] =	ssyncset.done $0x0  }
.LBB2_2:
0x2e: {  	s24 =	sadd.s32 s22, s10  }
0x2f: {  	[sflag:s13] =	ssyncadd.s32 $0xFFFFC000;
	s25 =	smov.u32 s23;
	s26 =	sadd.s32 $0x10, s23  }
0x30: {  	[tilespmem:s3], [sflag:$0x1] =	stream.linear.gather [hbm4b:s24+s3], $0x80, $0x38;
	[tilespmem:$0x18100] =	vst v63  }
0x31: {  	p0 =	sne.s32 s23, $0x30;
	s23 =	sadd.s32 s22, s9;
	s22 =	smov.u32 s25  }
0x32: {  	[tilespmem:s12], [sflag:$0x1] =	stream.linear.gather [hbm4b:s23+s3], $0x80, $0x38;
	[tilespmem:$0x18100] =	vst v63  }
0x33: {  	_ =	swait.ge [sflag:s13], $0x80  }
0x34: {  	[sflag:s13] =	ssyncset.done $0x0  }
0x35: {  	[sflag:s13] =	ssyncadd.s32 $0xFFFFFF80  }
0x36: {  	_ =	swait.ge [sflag:s13], $0x80  }
0x37: {  	[sflag:s13] =	ssyncset.done $0x0  }
0x38: {  	[sflag:s13] =	ssyncadd.s32 $0xFFFFFF80  }
0x39: {  	[tilespmem:s14], [sflag:$0x1] =	stream.indirect.gather [hbm4b:s0+s12], $0x80, s3, s12, $0xb8;
	[tilespmem:$0x18100] =	vst v63  }
0x3a: {  	_ = 	snop  }
0x3b: {  	[tilespmem:s15], [sflag:$0x1] =	stream.indirect.gather [hbm4b:s0+s12], $0x80, s12, s12, $0xb8;
	[tilespmem:$0x18100] =	vst v63  }
0x3c: {  	_ =	swait.ge [sflag:s13], $0x4000  }
0x3d: {  	[sflag:s13] =	ssyncset.done $0x0  }
0x3e: {  	[sflag:s13] =	ssyncadd.s32 $0xFFFFC000  }
0x3f: {  	_ =	swait.ge [sflag:s13], $0x4000  }
0x40: {  	[sflag:s13] =	ssyncset.done $0x0  }
0x41: {  	[sflag:s13] =	ssyncadd.s32 $0xFFFFC000  }
0x42: {  	[hbm4b:s21+s16] =	stream.strided.scatter [tilespmem:s14], [sflag:$0x1], $0x4000, s17, s16, $0x38;
	[tilespmem:$0x18100] =	vst v63  }
0x43: {  	_ = 	snop  }
0x44: {  	[hbm4b:s20+s3] =	stream.linear.scatter [tilespmem:s15], [sflag:$0x1], $0x4000, $0x38;
	[tilespmem:$0x18100] =	vst v63  }
.Ltmp0:
0x45: {  	_ =	swait.ge [sflag:s13], $0x4000;
	(pc) =	sbr.rel @p0 .LBB2_2-.Ltmp0, $4  }
0x46: {  	[sflag:s13] =	ssyncset.done $0x0  }
0x47: {  	[sflag:s13] =	ssyncadd.s32 $0xFFFFC000  }
0x48: {  	s23 =	smov.u32 s26;
	_ =	swait.ge [sflag:s13], $0x4000  }
0x49: {  	s21 =	sadd.s32 $0x1800, s21;
	s20 =	sadd.s32 $0x800, s20;
	[sflag:s13] =	ssyncset.done $0x0  }
0x4a: {  	s23 =	sadd.s32 s22, s10;
	[sflag:s13] =	ssyncadd.s32 $0xFFFFC000  }
0x4b: {  	[tilespmem:s3], [sflag:$0x1] =	stream.linear.gather [hbm4b:s23+s3], $0x80, $0x38;
	[tilespmem:$0x18100] =	vst v63  }
0x4c: {  	s31 =	sadd.s32 s22, s9  }
0x4d: {  	[tilespmem:s12], [sflag:$0x1] =	stream.linear.gather [hbm4b:s31+s3], $0x80, $0x38;
	[tilespmem:$0x18100] =	vst v63  }
0x4e: {  	_ =	swait.ge [sflag:s13], $0x80  }
0x4f: {  	[sflag:s13] =	ssyncset.done $0x0  }
0x50: {  	[sflag:s13] =	ssyncadd.s32 $0xFFFFFF80  }
0x51: {  	_ =	swait.ge [sflag:s13], $0x80  }
0x52: {  	[sflag:s13] =	ssyncset.done $0x0  }
0x53: {  	[sflag:s13] =	ssyncadd.s32 $0xFFFFFF80  }
0x54: {  	[tilespmem:s14], [sflag:$0x1] =	stream.indirect.gather [hbm4b:s0+s12], $0x80, s3, s12, $0xb8;
	[tilespmem:$0x18100] =	vst v63  }
0x55: {  	_ = 	snop  }
0x56: {  	[tilespmem:s15], [sflag:$0x1] =	stream.indirect.gather [hbm4b:s0+s12], $0x80, s12, s12, $0xb8;
	[tilespmem:$0x18100] =	vst v63  }
0x57: {  	_ =	swait.ge [sflag:s13], $0x4000  }
0x58: {  	[sflag:s13] =	ssyncset.done $0x0  }
0x59: {  	[sflag:s13] =	ssyncadd.s32 $0xFFFFC000  }
0x5a: {  	_ =	swait.ge [sflag:s13], $0x4000  }
0x5b: {  	[sflag:s13] =	ssyncset.done $0x0  }
0x5c: {  	[sflag:s13] =	ssyncadd.s32 $0xFFFFC000  }
0x5d: {  	[hbm4b:s21+s16] =	stream.strided.scatter [tilespmem:s14], [sflag:$0x1], $0x4000, s17, s16, $0x38;
	[tilespmem:$0x18100] =	vst v63  }
0x5e: {  	_ = 	snop  }
0x5f: {  	[hbm4b:s20+s3] =	stream.linear.scatter [tilespmem:s15], [sflag:$0x1], $0x4000, $0x38;
	[tilespmem:$0x18100] =	vst v63  }
0x60: {  	_ =	swait.ge [sflag:s13], $0x4000  }
0x61: {  	[sflag:s13] =	ssyncset.done $0x0  }
0x62: {  	[sflag:s13] =	ssyncadd.s32 $0xFFFFC000  }
0x63: {  	_ =	swait.ge [sflag:s13], $0x4000  }
0x64: {  	[sflag:s13] =	ssyncset.done $0x0  }
0x65: {  	[sflag:s13] =	ssyncadd.s32 $0xFFFFC000  }
0x66: {  	s19 =	sadd.s32 $0x1, s19;
	_ =	swait.ge [sflag:s18], $0x10000  }
0x67: {  	p0 =	sne.s32 s19, s7;
	[sflag:s18] =	ssyncset.done $0x0  }
.Ltmp1:
0x68: {  	[sflag:s18] =	ssyncadd.s32 $0xFFFF0000;
	(pc) =	sbr.rel @p0 .LBB2_1-.Ltmp1, $4  }
0x69: {  	[hbm4b:s6+s16] =	stream.strided.scatter [tilespmem:s11], [sflag:$0x2], $0x10000, s17, s16, $0x38;
	[tilespmem:$0x18100] =	vst v63  }
0x6a: {  	_ =	swait.ge [sflag:s18], $0x10000  }
0x6b: {  	[sflag:s18] =	ssyncset.done $0x0  }
0x6c: {  	[sflag:s18] =	ssyncadd.s32 $0xFFFF0000  }
0x6d: {  	_ =	sfence.sel $0x180000  }
0x6e: {  	[bflag:$0x0] =	sbarrier.arrive $0xFFFF  }
0x6f: {  	p0 =	sne.s32 s1, $0x0;
	_ =	strace $0x90000047  }
0x70: {  	s0 =	sadd.s32 @!p0 $0x100000, s2;
	[bflag:$0x2] =	sbarrier.arrive $0xFFFF  }
0x71: {  	[sflag:s0] =	ssyncadd.tile.s32 @!p0 $0x1;
	_ =	shalt  }
.Lfunc_end2:
_tile_overlayer_lowered:
.L_overlay_start_2:
0x72: {  	(tag) =	ssettag $0x2  }
0x73: {  	s0 =	rddreg [dreg:$0x0];
	s2 =	stileid.u32  }
0x74: {  	s1 =	rddreg [dreg:$0x1];
	p0 =	sne.s32 s2, $0x0  }
0x75: {  	s3 =	rddreg [dreg:$0x2];
	[bflag:$0x3] =	sbarrier.arrive $0xFFFF;
	s2 =	simm.s32 @!p0 $0x1C03  }
0x76: {  	[timem:s3], [sflag:s2] =	dma.local @!p0 [hbm:s0], s1  }
0x77: {  	s0 =	simm.s32 @!p0 $0x3  }
0x78: {  	_ =	swait.ge @!p0 [sflag:s0], s1  }
0x79: {  	s1 =	ssub.s32 @!p0 $0x0, s1;
	[sflag:s0] =	ssyncset.done @!p0 $0x0  }
0x7a: {  	[sflag:s0] =	ssyncadd.s32 @!p0 s1  }
0x7b: {  	[bflag:$0x3] =	sbarrier.arrive $0xFFFF  }
0x7c: {  	_ =	shalt  }

</sc_bundles>
